<compile_context>
chip_gen: v7x
topology: tpu7x:2x2x1
jax: 0.10.2.dev20260603
libtpu: 0.0.44.dev20260713+nightly
codegen_flags: <defaults>
</compile_context>

<pallas_src>
import functools

import jax
import jax.numpy as jnp
from jax import lax
from jax.experimental import pallas as pl
from jax.experimental.pallas import tpu as pltpu
from jax.experimental.pallas import tpu_sc as plsc

_H = 768
_E = 64
_TOKENS = 32768
_EPS = 1e-6
_ROOT = _H ** -0.5

_NP = 2
_PS = _E // _NP

_NC, _NS, _L = 2, 16, 16
_NW = _NC * _NS
_TPW = _TOKENS // _NW
_NSLAB = 1
_GU = 4


def _logits_body(x_ref, w_ref, s_ref, v_ref, i_ref):
    x = x_ref[...]
    ms = jnp.mean(x * x, axis=1, keepdims=True)
    n = x * jax.lax.rsqrt(ms + _EPS)
    n = n * jnp.float32(_ROOT)
    n = n * s_ref[...]
    nb = n.astype(jnp.bfloat16)
    wb = w_ref[...].astype(jnp.bfloat16)
    lt = jax.lax.dot_general(
        wb, nb, (((1,), (1,)), ((), ())),
        preferred_element_type=jnp.float32)
    tb = lt.shape[1]
    lt3 = lt.reshape(_NP, _PS, tb)
    li = jax.lax.broadcasted_iota(jnp.int32, (_NP, _PS, tb), 1)
    m1p = jnp.max(lt3, axis=1, keepdims=True)
    l1p = jnp.min(jnp.where(lt3 == m1p, li, _PS), axis=1, keepdims=True)
    masked = jnp.where(li == l1p, -jnp.inf, lt3)
    m2p = jnp.max(masked, axis=1, keepdims=True)
    l2p = jnp.min(jnp.where(masked == m2p, li, _PS), axis=1, keepdims=True)
    pbase = jax.lax.broadcasted_iota(jnp.int32, (_NP, 1, tb), 0) * _PS
    g1p = (pbase + l1p).reshape(_NP, tb)
    g2p = (pbase + l2p).reshape(_NP, tb)
    v_ref[...] = jnp.concatenate(
        [m1p.reshape(_NP, tb), m2p.reshape(_NP, tb)], axis=0)
    i_ref[...] = jnp.concatenate([g1p, g2p], axis=0)


_sc_mesh = plsc.VectorSubcoreMesh(core_axis_name="c", subcore_axis_name="s")

_TPS = _TPW // _NSLAB


@functools.partial(
    pl.kernel,
    mesh=_sc_mesh,
    out_type=[jax.ShapeDtypeStruct((2, _TOKENS), jnp.float32),
              jax.ShapeDtypeStruct((2, _TOKENS), jnp.int32)],
    scratch_types=[pltpu.VMEM((2 * _NP, _TPW), jnp.float32),
                   pltpu.VMEM((2 * _NP, _TPW), jnp.int32),
                   pltpu.VMEM((2, _TPW), jnp.float32),
                   pltpu.VMEM((2, _TPW), jnp.int32),
                   pltpu.SemaphoreType.DMA((2 * _NSLAB,))],
)
def _sc_topk(v_hbm, x_hbm, w_hbm, i_hbm, v_v, x_v, w_v, i_v, sems):
    wid = lax.axis_index("s") * _NC + lax.axis_index("c")
    base = wid * _TPW

    copies = []
    for s in range(_NSLAB):
        copies.append((
            pltpu.async_copy(
                v_hbm.at[:, pl.ds(base + s * _TPS, _TPS)],
                v_v.at[:, pl.ds(s * _TPS, _TPS)],
                sems.at[2 * s]),
            pltpu.async_copy(
                x_hbm.at[:, pl.ds(base + s * _TPS, _TPS)],
                x_v.at[:, pl.ds(s * _TPS, _TPS)],
                sems.at[2 * s + 1]),
        ))

    nblk = _TPS // (_GU * _L)

    for s in range(_NSLAB):
        copies[s][0].wait()
        copies[s][1].wait()

        def per_block(b, _, s=s):
            col0 = s * _TPS + b * (_GU * _L)
            for u in range(_GU):
                col = col0 + u * _L
                m1 = v_v[0, pl.ds(col, _L)]
                i1 = x_v[0, pl.ds(col, _L)]
                sw = v_v[_NP, pl.ds(col, _L)]
                si = x_v[_NP, pl.ds(col, _L)]
                m2 = jnp.full((_L,), -jnp.inf, jnp.float32)
                i2 = jnp.zeros((_L,), jnp.int32)
                for p in range(1, _NP):
                    v = v_v[p, pl.ds(col, _L)]
                    vi = x_v[p, pl.ds(col, _L)]
                    sv = v_v[_NP + p, pl.ds(col, _L)]
                    svi = x_v[_NP + p, pl.ds(col, _L)]
                    gt1 = v > m1
                    gt2 = v > m2
                    m2n = jnp.where(gt1, m1, jnp.where(gt2, v, m2))
                    i2n = jnp.where(gt1, i1, jnp.where(gt2, vi, i2))
                    m1 = jnp.where(gt1, v, m1)
                    i1 = jnp.where(gt1, vi, i1)
                    sw = jnp.where(gt1, sv, sw)
                    si = jnp.where(gt1, svi, si)
                    m2, i2 = m2n, i2n
                take = (sw > m2) | ((sw == m2) & (si < i2))
                m2 = jnp.where(take, sw, m2)
                i2 = jnp.where(take, si, i2)
                ex = jnp.exp(m2 - m1)
                w2 = ex / (1.0 + ex)
                w1 = 1.0 - w2
                w_v[0, pl.ds(col, _L)] = w1
                w_v[1, pl.ds(col, _L)] = w2
                i_v[0, pl.ds(col, _L)] = i1
                i_v[1, pl.ds(col, _L)] = i2
            return 0

        lax.fori_loop(0, nblk, functools.partial(per_block, s=s), 0)

    pltpu.sync_copy(w_v, w_hbm.at[:, pl.ds(base, _TPW)])
    pltpu.sync_copy(i_v, i_hbm.at[:, pl.ds(base, _TPW)])


def kernel(hidden_states, W, scale):
    Tb = 4096
    vals, idxs = pl.pallas_call(
        _logits_body,
        grid=(_TOKENS // Tb,),
        in_specs=[
            pl.BlockSpec((Tb, _H), lambda i: (i, 0)),
            pl.BlockSpec((_E, _H), lambda i: (0, 0)),
            pl.BlockSpec((1, _H), lambda i: (0, 0)),
        ],
        out_specs=[
            pl.BlockSpec((2 * _NP, Tb), lambda i: (0, i)),
            pl.BlockSpec((2 * _NP, Tb), lambda i: (0, i)),
        ],
        out_shape=[
            jax.ShapeDtypeStruct((2 * _NP, _TOKENS), jnp.float32),
            jax.ShapeDtypeStruct((2 * _NP, _TOKENS), jnp.int32),
        ],
        compiler_params=pltpu.CompilerParams(
            dimension_semantics=("arbitrary",)),
    )(hidden_states, W, scale.reshape(1, _H))
    w2d, i2d = _sc_topk(vals, idxs)
    return (w2d.T, i2d.T)

# --- scband reference (transcript-rebuilt; emitter-appended) ---
"""Pipeline reference for scband-ref-router-25159918420618 (READ-ONLY COPY).

The authoritative reference and input builder live on the scoring server;
editing this copy changes nothing except your own understanding.
"""

import jax, jax.numpy as jnp
import numpy as np

H = 768
E = 64
TOPK = 2
TOKENS = 32768
EPS = 1e-06


def setup_inputs(seed: int = 0) -> dict:
    key = jax.random.key(seed)
    k1, k2 = jax.random.split(key, 2)
    hidden_states = jax.random.normal(k1, (TOKENS, H), dtype=jnp.float32)
    # Learned parameters sized per init_kwargs
    W = jax.random.normal(k2, (E, H), dtype=jnp.float32) * 0.02  # nn.Linear(H, E, bias=False) weight
    scale = jnp.ones((H,), dtype=jnp.float32)  # RMSNorm scale parameter
    return {"hidden_states": hidden_states, "W": W, "scale": scale}


def reference(hidden_states, W, scale):
    root_size = jnp.asarray(H ** (-0.5), dtype=hidden_states.dtype)
    # RMSNorm in float32
    normed = hidden_states.astype(jnp.float32)
    normed = normed * jax.lax.rsqrt(jnp.mean(normed * normed, axis=-1, keepdims=True) + EPS)
    normed = normed.astype(hidden_states.dtype)
    normed = normed * root_size * scale.astype(hidden_states.dtype)
    # Router projection: Linear(H, E, bias=False) => x @ W.T
    logits = normed @ W.T
    probs = jax.nn.softmax(logits, axis=-1)
    topk_w, topk_i = jax.lax.top_k(probs, TOPK)
    topk_w = topk_w / jnp.sum(topk_w, axis=-1, keepdims=True)
    return (topk_w, topk_i)

if __name__ == "__main__":
    import jax
    _d = setup_inputs()
    print(jax.jit(kernel)(*tuple(_d.values())))

</pallas_src>

<mosaic_0001>
#map = affine_map<(d0, d1) -> (0, 0)>
module attributes {stable_mosaic.version = 14 : i64} {
  func.func @_sc_topk(%arg0: i32, %arg1: i32, %arg2: memref<4x32768xf32, #tpu.memory_space<hbm>>, %arg3: memref<4x32768xi32, #tpu.memory_space<hbm>>, %arg4: memref<2x32768xf32, #tpu.memory_space<hbm>>, %arg5: memref<2x32768xi32, #tpu.memory_space<hbm>>, %arg6: memref<4x1024xf32, #tpu.memory_space<vmem>>, %arg7: memref<4x1024xi32, #tpu.memory_space<vmem>>, %arg8: memref<2x1024xf32, #tpu.memory_space<vmem>>, %arg9: memref<2x1024xi32, #tpu.memory_space<vmem>>, %arg10: memref<2x!tpu.dma_semaphore, #tpu.memory_space<semaphore_mem>>) attributes {dimension_semantics = [#tpu.dimension_semantics<core_parallel>, #tpu.dimension_semantics<subcore_parallel>], iteration_bounds = array<i64: 2, 16>, scalar_prefetch = 0 : i64, scratch_operands = 5 : i64, tpu.core_type = #tpu.core_type<sc_vector_subcore>, window_params = [{transform_indices = #map}, {transform_indices = #map}, {transform_indices = #map}, {transform_indices = #map}]} {
    %mul3A = arith.constant 2 : i32
    %mul3A_0 = arith.muli %arg1, %mul3A : i32
    %add3A = arith.addi %mul3A_0, %arg0 : i32
    %mul3A_1 = arith.constant 1024 : i32
    %mul3A_2 = arith.muli %add3A, %mul3A_1 : i32
    %add3A_3 = arith.constant 0 : i32
    %add3A_4 = arith.addi %mul3A_2, %add3A_3 : i32
    %dma_start3A = arith.constant 0 : i32
    %dma_start3A_5 = arith.constant 0 : i32
    %dma_start3A_6 = arith.constant 0 : i32
    %dma_start3A_7 = tpu.memref_slice %arg6[%dma_start3A_5, %dma_start3A_6] : memref<4x1024xf32, #tpu.memory_space<vmem>> -> memref<4x1024xf32, #tpu.memory_space<vmem>>
    %dma_start3A_8 = arith.constant 0 : i32
    %dma_start3A_9 = tpu.memref_slice %arg2[%dma_start3A_8, %add3A_4] : memref<4x32768xf32, #tpu.memory_space<hbm>> -> memref<4x1024xf32, #tpu.memory_space<hbm>>
    %dma_start3A_10 = tpu.memref_slice %arg10[%dma_start3A] : memref<2x!tpu.dma_semaphore, #tpu.memory_space<semaphore_mem>> -> memref<1x!tpu.dma_semaphore, #tpu.memory_space<semaphore_mem>>
    %dma_start3A_11 = tpu.memref_squeeze %dma_start3A_10 : memref<1x!tpu.dma_semaphore, #tpu.memory_space<semaphore_mem>> -> memref<!tpu.dma_semaphore, #tpu.memory_space<semaphore_mem>>
    %dma_start3A_12 = arith.constant 0 : i32
    %dma_start3A_13 = arith.constant 0 : i32
    %dma_start3A_14 = tpu.memref_slice %arg6[%dma_start3A_12, %dma_start3A_13] : memref<4x1024xf32, #tpu.memory_space<vmem>> -> memref<4x1024xf32, #tpu.memory_space<vmem>>
    %dma_start3A_15 = arith.constant 0 : i32
    %dma_start3A_16 = tpu.memref_slice %arg2[%dma_start3A_15, %add3A_4] : memref<4x32768xf32, #tpu.memory_space<hbm>> -> memref<4x1024xf32, #tpu.memory_space<hbm>>
    tpu.enqueue_dma source(%dma_start3A_16 : memref<4x1024xf32, #tpu.memory_space<hbm>>) target(%dma_start3A_14 : memref<4x1024xf32, #tpu.memory_space<vmem>>) target_semaphore(%dma_start3A_11 : memref<!tpu.dma_semaphore, #tpu.memory_space<semaphore_mem>>)
    %add3A_17 = arith.constant 0 : i32
    %add3A_18 = arith.addi %mul3A_2, %add3A_17 : i32
    %dma_start3A_19 = arith.constant 1 : i32
    %dma_start3A_20 = arith.constant 0 : i32
    %dma_start3A_21 = arith.constant 0 : i32
    %dma_start3A_22 = tpu.memref_slice %arg7[%dma_start3A_20, %dma_start3A_21] : memref<4x1024xi32, #tpu.memory_space<vmem>> -> memref<4x1024xi32, #tpu.memory_space<vmem>>
    %dma_start3A_23 = arith.constant 0 : i32
    %dma_start3A_24 = tpu.memref_slice %arg3[%dma_start3A_23, %add3A_18] : memref<4x32768xi32, #tpu.memory_space<hbm>> -> memref<4x1024xi32, #tpu.memory_space<hbm>>
    %dma_start3A_25 = tpu.memref_slice %arg10[%dma_start3A_19] : memref<2x!tpu.dma_semaphore, #tpu.memory_space<semaphore_mem>> -> memref<1x!tpu.dma_semaphore, #tpu.memory_space<semaphore_mem>>
    %dma_start3A_26 = tpu.memref_squeeze %dma_start3A_25 : memref<1x!tpu.dma_semaphore, #tpu.memory_space<semaphore_mem>> -> memref<!tpu.dma_semaphore, #tpu.memory_space<semaphore_mem>>
    %dma_start3A_27 = arith.constant 0 : i32
    %dma_start3A_28 = arith.constant 0 : i32
    %dma_start3A_29 = tpu.memref_slice %arg7[%dma_start3A_27, %dma_start3A_28] : memref<4x1024xi32, #tpu.memory_space<vmem>> -> memref<4x1024xi32, #tpu.memory_space<vmem>>
    %dma_start3A_30 = arith.constant 0 : i32
    %dma_start3A_31 = tpu.memref_slice %arg3[%dma_start3A_30, %add3A_18] : memref<4x32768xi32, #tpu.memory_space<hbm>> -> memref<4x1024xi32, #tpu.memory_space<hbm>>
    tpu.enqueue_dma source(%dma_start3A_31 : memref<4x1024xi32, #tpu.memory_space<hbm>>) target(%dma_start3A_29 : memref<4x1024xi32, #tpu.memory_space<vmem>>) target_semaphore(%dma_start3A_26 : memref<!tpu.dma_semaphore, #tpu.memory_space<semaphore_mem>>)
    %dma_wait3A = arith.constant 0 : i32
    %dma_wait3A_32 = arith.constant 0 : i32
    %dma_wait3A_33 = arith.constant 0 : i32
    %dma_wait3A_34 = tpu.memref_slice %arg6[%dma_wait3A_32, %dma_wait3A_33] : memref<4x1024xf32, #tpu.memory_space<vmem>> -> memref<4x1024xf32, #tpu.memory_space<vmem>>
    %dma_wait3A_35 = arith.constant 0 : i32
    %dma_wait3A_36 = tpu.memref_slice %arg2[%dma_wait3A_35, %add3A_4] : memref<4x32768xf32, #tpu.memory_space<hbm>> -> memref<4x1024xf32, #tpu.memory_space<hbm>>
    %dma_wait3A_37 = tpu.memref_slice %arg10[%dma_wait3A] : memref<2x!tpu.dma_semaphore, #tpu.memory_space<semaphore_mem>> -> memref<1x!tpu.dma_semaphore, #tpu.memory_space<semaphore_mem>>
    %dma_wait3A_38 = tpu.memref_squeeze %dma_wait3A_37 : memref<1x!tpu.dma_semaphore, #tpu.memory_space<semaphore_mem>> -> memref<!tpu.dma_semaphore, #tpu.memory_space<semaphore_mem>>
    %dma_wait3A_39 = arith.constant 0 : i32
    %dma_wait3A_40 = arith.constant 0 : i32
    %dma_wait3A_41 = tpu.memref_slice %arg6[%dma_wait3A_39, %dma_wait3A_40] : memref<4x1024xf32, #tpu.memory_space<vmem>> -> memref<4x1024xf32, #tpu.memory_space<vmem>>
    %dma_wait3A_42 = arith.constant 0 : i32
    %dma_wait3A_43 = tpu.memref_slice %arg2[%dma_wait3A_42, %add3A_4] : memref<4x32768xf32, #tpu.memory_space<hbm>> -> memref<4x1024xf32, #tpu.memory_space<hbm>>
    tpu.wait_dma2 semaphore(%dma_wait3A_38 : memref<!tpu.dma_semaphore, #tpu.memory_space<semaphore_mem>>) src(%dma_wait3A_43 : memref<4x1024xf32, #tpu.memory_space<hbm>>) dst(%dma_wait3A_41 : memref<4x1024xf32, #tpu.memory_space<vmem>>)
    %dma_wait3A_44 = arith.constant 1 : i32
    %dma_wait3A_45 = arith.constant 0 : i32
    %dma_wait3A_46 = arith.constant 0 : i32
    %dma_wait3A_47 = tpu.memref_slice %arg7[%dma_wait3A_45, %dma_wait3A_46] : memref<4x1024xi32, #tpu.memory_space<vmem>> -> memref<4x1024xi32, #tpu.memory_space<vmem>>
    %dma_wait3A_48 = arith.constant 0 : i32
    %dma_wait3A_49 = tpu.memref_slice %arg3[%dma_wait3A_48, %add3A_18] : memref<4x32768xi32, #tpu.memory_space<hbm>> -> memref<4x1024xi32, #tpu.memory_space<hbm>>
    %dma_wait3A_50 = tpu.memref_slice %arg10[%dma_wait3A_44] : memref<2x!tpu.dma_semaphore, #tpu.memory_space<semaphore_mem>> -> memref<1x!tpu.dma_semaphore, #tpu.memory_space<semaphore_mem>>
    %dma_wait3A_51 = tpu.memref_squeeze %dma_wait3A_50 : memref<1x!tpu.dma_semaphore, #tpu.memory_space<semaphore_mem>> -> memref<!tpu.dma_semaphore, #tpu.memory_space<semaphore_mem>>
    %dma_wait3A_52 = arith.constant 0 : i32
    %dma_wait3A_53 = arith.constant 0 : i32
    %dma_wait3A_54 = tpu.memref_slice %arg7[%dma_wait3A_52, %dma_wait3A_53] : memref<4x1024xi32, #tpu.memory_space<vmem>> -> memref<4x1024xi32, #tpu.memory_space<vmem>>
    %dma_wait3A_55 = arith.constant 0 : i32
    %dma_wait3A_56 = tpu.memref_slice %arg3[%dma_wait3A_55, %add3A_18] : memref<4x32768xi32, #tpu.memory_space<hbm>> -> memref<4x1024xi32, #tpu.memory_space<hbm>>
    tpu.wait_dma2 semaphore(%dma_wait3A_51 : memref<!tpu.dma_semaphore, #tpu.memory_space<semaphore_mem>>) src(%dma_wait3A_56 : memref<4x1024xi32, #tpu.memory_space<hbm>>) dst(%dma_wait3A_54 : memref<4x1024xi32, #tpu.memory_space<vmem>>)
    %scan3A = arith.constant 0 : i32
    %scan3A_57 = arith.constant 0 : i32
    %scan3A_58 = arith.constant 16 : i32
    %scan3A_59 = arith.addi %scan3A_57, %scan3A_58 : i32
    %scan3A_60 = arith.constant 1 : i32
    %scan3A_61 = scf.for %scan3A_63 = %scan3A_57 to %scan3A_59 step %scan3A_60 iter_args(%scan3A_64 = %scan3A) -> (i32)  : i32 {
      %mul3A_65 = arith.constant 64 : i32
      %mul3A_66 = arith.muli %scan3A_63, %mul3A_65 : i32
      %add3A_67 = arith.constant 0 : i32
      %add3A_68 = arith.addi %add3A_67, %mul3A_66 : i32
      %add3A_69 = arith.constant 0 : i32
      %add3A_70 = arith.addi %add3A_68, %add3A_69 : i32
      %get3A = arith.constant 0 : i32
      %get3A_71 = arith.index_cast %get3A : i32 to index
      %get3A_72 = arith.index_cast %add3A_70 : i32 to index
      %get3A_73 = tpu.vector_load %arg6[%get3A_71, %get3A_72] {strides = array<i32>} : memref<4x1024xf32, #tpu.memory_space<vmem>>, vector<1x16xf32>,
      %get3A_74 = vector.shape_cast %get3A_73 : vector<1x16xf32> to vector<16xf32>
      %get3A_75 = arith.constant 0 : i32
      %get3A_76 = arith.index_cast %get3A_75 : i32 to index
      %get3A_77 = arith.index_cast %add3A_70 : i32 to index
      %get3A_78 = tpu.vector_load %arg7[%get3A_76, %get3A_77] {strides = array<i32>} : memref<4x1024xi32, #tpu.memory_space<vmem>>, vector<1x16xi32>,
      %get3A_79 = vector.shape_cast %get3A_78 : vector<1x16xi32> to vector<16xi32>
      %get3A_80 = arith.constant 2 : i32
      %get3A_81 = arith.index_cast %get3A_80 : i32 to index
      %get3A_82 = arith.index_cast %add3A_70 : i32 to index
      %get3A_83 = tpu.vector_load %arg6[%get3A_81, %get3A_82] {strides = array<i32>} : memref<4x1024xf32, #tpu.memory_space<vmem>>, vector<1x16xf32>,
      %get3A_84 = vector.shape_cast %get3A_83 : vector<1x16xf32> to vector<16xf32>
      %get3A_85 = arith.constant 2 : i32
      %get3A_86 = arith.index_cast %get3A_85 : i32 to index
      %get3A_87 = arith.index_cast %add3A_70 : i32 to index
      %get3A_88 = tpu.vector_load %arg7[%get3A_86, %get3A_87] {strides = array<i32>} : memref<4x1024xi32, #tpu.memory_space<vmem>>, vector<1x16xi32>,
      %get3A_89 = vector.shape_cast %get3A_88 : vector<1x16xi32> to vector<16xi32>
      %broadcast_in_dim3A = arith.constant 0xFF800000 : f32
      %broadcast_in_dim3A_90 = vector.broadcast %broadcast_in_dim3A : f32 to vector<16xf32>
      %broadcast_in_dim3A_91 = arith.constant 0 : i32
      %broadcast_in_dim3A_92 = vector.broadcast %broadcast_in_dim3A_91 : i32 to vector<16xi32>
      %get3A_93 = arith.constant 1 : i32
      %get3A_94 = arith.index_cast %get3A_93 : i32 to index
      %get3A_95 = arith.index_cast %add3A_70 : i32 to index
      %get3A_96 = tpu.vector_load %arg6[%get3A_94, %get3A_95] {strides = array<i32>} : memref<4x1024xf32, #tpu.memory_space<vmem>>, vector<1x16xf32>,
      %get3A_97 = vector.shape_cast %get3A_96 : vector<1x16xf32> to vector<16xf32>
      %get3A_98 = arith.constant 1 : i32
      %get3A_99 = arith.index_cast %get3A_98 : i32 to index
      %get3A_100 = arith.index_cast %add3A_70 : i32 to index
      %get3A_101 = tpu.vector_load %arg7[%get3A_99, %get3A_100] {strides = array<i32>} : memref<4x1024xi32, #tpu.memory_space<vmem>>, vector<1x16xi32>,
      %get3A_102 = vector.shape_cast %get3A_101 : vector<1x16xi32> to vector<16xi32>
      %get3A_103 = arith.constant 3 : i32
      %get3A_104 = arith.index_cast %get3A_103 : i32 to index
      %get3A_105 = arith.index_cast %add3A_70 : i32 to index
      %get3A_106 = tpu.vector_load %arg6[%get3A_104, %get3A_105] {strides = array<i32>} : memref<4x1024xf32, #tpu.memory_space<vmem>>, vector<1x16xf32>,
      %get3A_107 = vector.shape_cast %get3A_106 : vector<1x16xf32> to vector<16xf32>
      %get3A_108 = arith.constant 3 : i32
      %get3A_109 = arith.index_cast %get3A_108 : i32 to index
      %get3A_110 = arith.index_cast %add3A_70 : i32 to index
      %get3A_111 = tpu.vector_load %arg7[%get3A_109, %get3A_110] {strides = array<i32>} : memref<4x1024xi32, #tpu.memory_space<vmem>>, vector<1x16xi32>,
      %get3A_112 = vector.shape_cast %get3A_111 : vector<1x16xi32> to vector<16xi32>
      %gt3A = arith.cmpf ogt, %get3A_97, %get3A_74 : vector<16xf32>
      %gt3A_113 = arith.cmpf ogt, %get3A_97, %broadcast_in_dim3A_90 : vector<16xf32>
      %select_n3A = arith.select %gt3A_113, %get3A_97, %broadcast_in_dim3A_90 : vector<16xi1>, vector<16xf32>
      %select_n3A_114 = arith.select %gt3A, %get3A_74, %select_n3A : vector<16xi1>, vector<16xf32>
      %select_n3A_115 = arith.select %gt3A_113, %get3A_102, %broadcast_in_dim3A_92 : vector<16xi1>, vector<16xi32>
      %select_n3A_116 = arith.select %gt3A, %get3A_79, %select_n3A_115 : vector<16xi1>, vector<16xi32>
      %select_n3A_117 = arith.select %gt3A, %get3A_97, %get3A_74 : vector<16xi1>, vector<16xf32>
      %select_n3A_118 = arith.select %gt3A, %get3A_102, %get3A_79 : vector<16xi1>, vector<16xi32>
      %select_n3A_119 = arith.select %gt3A, %get3A_107, %get3A_84 : vector<16xi1>, vector<16xf32>
      %select_n3A_120 = arith.select %gt3A, %get3A_112, %get3A_89 : vector<16xi1>, vector<16xi32>
      %gt3A_121 = arith.cmpf ogt, %select_n3A_119, %select_n3A_114 : vector<16xf32>
      %eq3A = arith.cmpf oeq, %select_n3A_119, %select_n3A_114 : vector<16xf32>
      %lt3A = arith.cmpi slt, %select_n3A_120, %select_n3A_116 : vector<16xi32>
      %and3A = arith.andi %eq3A, %lt3A : vector<16xi1>
      %or3A = arith.ori %gt3A_121, %and3A : vector<16xi1>
      %select_n3A_122 = arith.select %or3A, %select_n3A_119, %select_n3A_114 : vector<16xi1>, vector<16xf32>
      %select_n3A_123 = arith.select %or3A, %select_n3A_120, %select_n3A_116 : vector<16xi1>, vector<16xi32>
      %sub3A = arith.subf %select_n3A_122, %select_n3A_117 : vector<16xf32>
      %exp3A = math.exp %sub3A : vector<16xf32>
      %add3A_124 = arith.constant 1.000000e+00 : f32
      %add3A_125 = vector.broadcast %add3A_124 : f32 to vector<16xf32>
      %add3A_126 = arith.addf %add3A_125, %exp3A : vector<16xf32>
      %div3A = arith.divf %exp3A, %add3A_126 : vector<16xf32>
      %sub3A_127 = arith.constant 1.000000e+00 : f32
      %sub3A_128 = vector.broadcast %sub3A_127 : f32 to vector<16xf32>
      %sub3A_129 = arith.subf %sub3A_128, %div3A : vector<16xf32>
      %swap3A = arith.constant 0 : i32
      %swap3A_130 = arith.index_cast %swap3A : i32 to index
      %swap3A_131 = arith.index_cast %add3A_70 : i32 to index
      %swap3A_132 = tpu.vector_load %arg8[%swap3A_130, %swap3A_131] {strides = array<i32>} : memref<2x1024xf32, #tpu.memory_space<vmem>>, vector<1x16xf32>,
      %swap3A_133 = vector.shape_cast %swap3A_132 : vector<1x16xf32> to vector<16xf32>
      %swap3A_134 = vector.shape_cast %sub3A_129 : vector<16xf32> to vector<1x16xf32>
      tpu.vector_store %arg8[%swap3A_130, %swap3A_131], %swap3A_134 {strides = array<i32>} : memref<2x1024xf32, #tpu.memory_space<vmem>>, vector<1x16xf32>,
      %swap3A_135 = arith.constant 1 : i32
      %swap3A_136 = arith.index_cast %swap3A_135 : i32 to index
      %swap3A_137 = arith.index_cast %add3A_70 : i32 to index
      %swap3A_138 = tpu.vector_load %arg8[%swap3A_136, %swap3A_137] {strides = array<i32>} : memref<2x1024xf32, #tpu.memory_space<vmem>>, vector<1x16xf32>,
      %swap3A_139 = vector.shape_cast %swap3A_138 : vector<1x16xf32> to vector<16xf32>
      %swap3A_140 = vector.shape_cast %div3A : vector<16xf32> to vector<1x16xf32>
      tpu.vector_store %arg8[%swap3A_136, %swap3A_137], %swap3A_140 {strides = array<i32>} : memref<2x1024xf32, #tpu.memory_space<vmem>>, vector<1x16xf32>,
      %swap3A_141 = arith.constant 0 : i32
      %swap3A_142 = arith.index_cast %swap3A_141 : i32 to index
      %swap3A_143 = arith.index_cast %add3A_70 : i32 to index
      %swap3A_144 = tpu.vector_load %arg9[%swap3A_142, %swap3A_143] {strides = array<i32>} : memref<2x1024xi32, #tpu.memory_space<vmem>>, vector<1x16xi32>,
      %swap3A_145 = vector.shape_cast %swap3A_144 : vector<1x16xi32> to vector<16xi32>
      %swap3A_146 = vector.shape_cast %select_n3A_118 : vector<16xi32> to vector<1x16xi32>
      tpu.vector_store %arg9[%swap3A_142, %swap3A_143], %swap3A_146 {strides = array<i32>} : memref<2x1024xi32, #tpu.memory_space<vmem>>, vector<1x16xi32>,
      %swap3A_147 = arith.constant 1 : i32
      %swap3A_148 = arith.index_cast %swap3A_147 : i32 to index
      %swap3A_149 = arith.index_cast %add3A_70 : i32 to index
      %swap3A_150 = tpu.vector_load %arg9[%swap3A_148, %swap3A_149] {strides = array<i32>} : memref<2x1024xi32, #tpu.memory_space<vmem>>, vector<1x16xi32>,
      %swap3A_151 = vector.shape_cast %swap3A_150 : vector<1x16xi32> to vector<16xi32>
      %swap3A_152 = vector.shape_cast %select_n3A_123 : vector<16xi32> to vector<1x16xi32>
      tpu.vector_store %arg9[%swap3A_148, %swap3A_149], %swap3A_152 {strides = array<i32>} : memref<2x1024xi32, #tpu.memory_space<vmem>>, vector<1x16xi32>,
      %add3A_153 = arith.constant 16 : i32
      %add3A_154 = arith.addi %add3A_68, %add3A_153 : i32
      %get3A_155 = arith.constant 0 : i32
      %get3A_156 = arith.index_cast %get3A_155 : i32 to index
      %get3A_157 = arith.index_cast %add3A_154 : i32 to index
      %get3A_158 = tpu.vector_load %arg6[%get3A_156, %get3A_157] {strides = array<i32>} : memref<4x1024xf32, #tpu.memory_space<vmem>>, vector<1x16xf32>,
      %get3A_159 = vector.shape_cast %get3A_158 : vector<1x16xf32> to vector<16xf32>
      %get3A_160 = arith.constant 0 : i32
      %get3A_161 = arith.index_cast %get3A_160 : i32 to index
      %get3A_162 = arith.index_cast %add3A_154 : i32 to index
      %get3A_163 = tpu.vector_load %arg7[%get3A_161, %get3A_162] {strides = array<i32>} : memref<4x1024xi32, #tpu.memory_space<vmem>>, vector<1x16xi32>,
      %get3A_164 = vector.shape_cast %get3A_163 : vector<1x16xi32> to vector<16xi32>
      %get3A_165 = arith.constant 2 : i32
      %get3A_166 = arith.index_cast %get3A_165 : i32 to index
      %get3A_167 = arith.index_cast %add3A_154 : i32 to index
      %get3A_168 = tpu.vector_load %arg6[%get3A_166, %get3A_167] {strides = array<i32>} : memref<4x1024xf32, #tpu.memory_space<vmem>>, vector<1x16xf32>,
      %get3A_169 = vector.shape_cast %get3A_168 : vector<1x16xf32> to vector<16xf32>
      %get3A_170 = arith.constant 2 : i32
      %get3A_171 = arith.index_cast %get3A_170 : i32 to index
      %get3A_172 = arith.index_cast %add3A_154 : i32 to index
      %get3A_173 = tpu.vector_load %arg7[%get3A_171, %get3A_172] {strides = array<i32>} : memref<4x1024xi32, #tpu.memory_space<vmem>>, vector<1x16xi32>,
      %get3A_174 = vector.shape_cast %get3A_173 : vector<1x16xi32> to vector<16xi32>
      %broadcast_in_dim3A_175 = arith.constant 0xFF800000 : f32
      %broadcast_in_dim3A_176 = vector.broadcast %broadcast_in_dim3A_175 : f32 to vector<16xf32>
      %broadcast_in_dim3A_177 = arith.constant 0 : i32
      %broadcast_in_dim3A_178 = vector.broadcast %broadcast_in_dim3A_177 : i32 to vector<16xi32>
      %get3A_179 = arith.constant 1 : i32
      %get3A_180 = arith.index_cast %get3A_179 : i32 to index
      %get3A_181 = arith.index_cast %add3A_154 : i32 to index
      %get3A_182 = tpu.vector_load %arg6[%get3A_180, %get3A_181] {strides = array<i32>} : memref<4x1024xf32, #tpu.memory_space<vmem>>, vector<1x16xf32>,
      %get3A_183 = vector.shape_cast %get3A_182 : vector<1x16xf32> to vector<16xf32>
      %get3A_184 = arith.constant 1 : i32
      %get3A_185 = arith.index_cast %get3A_184 : i32 to index
      %get3A_186 = arith.index_cast %add3A_154 : i32 to index
      %get3A_187 = tpu.vector_load %arg7[%get3A_185, %get3A_186] {strides = array<i32>} : memref<4x1024xi32, #tpu.memory_space<vmem>>, vector<1x16xi32>,
      %get3A_188 = vector.shape_cast %get3A_187 : vector<1x16xi32> to vector<16xi32>
      %get3A_189 = arith.constant 3 : i32
      %get3A_190 = arith.index_cast %get3A_189 : i32 to index
      %get3A_191 = arith.index_cast %add3A_154 : i32 to index
      %get3A_192 = tpu.vector_load %arg6[%get3A_190, %get3A_191] {strides = array<i32>} : memref<4x1024xf32, #tpu.memory_space<vmem>>, vector<1x16xf32>,
      %get3A_193 = vector.shape_cast %get3A_192 : vector<1x16xf32> to vector<16xf32>
      %get3A_194 = arith.constant 3 : i32
      %get3A_195 = arith.index_cast %get3A_194 : i32 to index
      %get3A_196 = arith.index_cast %add3A_154 : i32 to index
      %get3A_197 = tpu.vector_load %arg7[%get3A_195, %get3A_196] {strides = array<i32>} : memref<4x1024xi32, #tpu.memory_space<vmem>>, vector<1x16xi32>,
      %get3A_198 = vector.shape_cast %get3A_197 : vector<1x16xi32> to vector<16xi32>
      %gt3A_199 = arith.cmpf ogt, %get3A_183, %get3A_159 : vector<16xf32>
      %gt3A_200 = arith.cmpf ogt, %get3A_183, %broadcast_in_dim3A_176 : vector<16xf32>
      %select_n3A_201 = arith.select %gt3A_200, %get3A_183, %broadcast_in_dim3A_176 : vector<16xi1>, vector<16xf32>
      %select_n3A_202 = arith.select %gt3A_199, %get3A_159, %select_n3A_201 : vector<16xi1>, vector<16xf32>
      %select_n3A_203 = arith.select %gt3A_200, %get3A_188, %broadcast_in_dim3A_178 : vector<16xi1>, vector<16xi32>
      %select_n3A_204 = arith.select %gt3A_199, %get3A_164, %select_n3A_203 : vector<16xi1>, vector<16xi32>
      %select_n3A_205 = arith.select %gt3A_199, %get3A_183, %get3A_159 : vector<16xi1>, vector<16xf32>
      %select_n3A_206 = arith.select %gt3A_199, %get3A_188, %get3A_164 : vector<16xi1>, vector<16xi32>
      %select_n3A_207 = arith.select %gt3A_199, %get3A_193, %get3A_169 : vector<16xi1>, vector<16xf32>
      %select_n3A_208 = arith.select %gt3A_199, %get3A_198, %get3A_174 : vector<16xi1>, vector<16xi32>
      %gt3A_209 = arith.cmpf ogt, %select_n3A_207, %select_n3A_202 : vector<16xf32>
      %eq3A_210 = arith.cmpf oeq, %select_n3A_207, %select_n3A_202 : vector<16xf32>
      %lt3A_211 = arith.cmpi slt, %select_n3A_208, %select_n3A_204 : vector<16xi32>
      %and3A_212 = arith.andi %eq3A_210, %lt3A_211 : vector<16xi1>
      %or3A_213 = arith.ori %gt3A_209, %and3A_212 : vector<16xi1>
      %select_n3A_214 = arith.select %or3A_213, %select_n3A_207, %select_n3A_202 : vector<16xi1>, vector<16xf32>
      %select_n3A_215 = arith.select %or3A_213, %select_n3A_208, %select_n3A_204 : vector<16xi1>, vector<16xi32>
      %sub3A_216 = arith.subf %select_n3A_214, %select_n3A_205 : vector<16xf32>
      %exp3A_217 = math.exp %sub3A_216 : vector<16xf32>
      %add3A_218 = arith.constant 1.000000e+00 : f32
      %add3A_219 = vector.broadcast %add3A_218 : f32 to vector<16xf32>
      %add3A_220 = arith.addf %add3A_219, %exp3A_217 : vector<16xf32>
      %div3A_221 = arith.divf %exp3A_217, %add3A_220 : vector<16xf32>
      %sub3A_222 = arith.constant 1.000000e+00 : f32
      %sub3A_223 = vector.broadcast %sub3A_222 : f32 to vector<16xf32>
      %sub3A_224 = arith.subf %sub3A_223, %div3A_221 : vector<16xf32>
      %swap3A_225 = arith.constant 0 : i32
      %swap3A_226 = arith.index_cast %swap3A_225 : i32 to index
      %swap3A_227 = arith.index_cast %add3A_154 : i32 to index
      %swap3A_228 = tpu.vector_load %arg8[%swap3A_226, %swap3A_227] {strides = array<i32>} : memref<2x1024xf32, #tpu.memory_space<vmem>>, vector<1x16xf32>,
      %swap3A_229 = vector.shape_cast %swap3A_228 : vector<1x16xf32> to vector<16xf32>
      %swap3A_230 = vector.shape_cast %sub3A_224 : vector<16xf32> to vector<1x16xf32>
      tpu.vector_store %arg8[%swap3A_226, %swap3A_227], %swap3A_230 {strides = array<i32>} : memref<2x1024xf32, #tpu.memory_space<vmem>>, vector<1x16xf32>,
      %swap3A_231 = arith.constant 1 : i32
      %swap3A_232 = arith.index_cast %swap3A_231 : i32 to index
      %swap3A_233 = arith.index_cast %add3A_154 : i32 to index
      %swap3A_234 = tpu.vector_load %arg8[%swap3A_232, %swap3A_233] {strides = array<i32>} : memref<2x1024xf32, #tpu.memory_space<vmem>>, vector<1x16xf32>,
      %swap3A_235 = vector.shape_cast %swap3A_234 : vector<1x16xf32> to vector<16xf32>
      %swap3A_236 = vector.shape_cast %div3A_221 : vector<16xf32> to vector<1x16xf32>
      tpu.vector_store %arg8[%swap3A_232, %swap3A_233], %swap3A_236 {strides = array<i32>} : memref<2x1024xf32, #tpu.memory_space<vmem>>, vector<1x16xf32>,
      %swap3A_237 = arith.constant 0 : i32
      %swap3A_238 = arith.index_cast %swap3A_237 : i32 to index
      %swap3A_239 = arith.index_cast %add3A_154 : i32 to index
      %swap3A_240 = tpu.vector_load %arg9[%swap3A_238, %swap3A_239] {strides = array<i32>} : memref<2x1024xi32, #tpu.memory_space<vmem>>, vector<1x16xi32>,
      %swap3A_241 = vector.shape_cast %swap3A_240 : vector<1x16xi32> to vector<16xi32>
      %swap3A_242 = vector.shape_cast %select_n3A_206 : vector<16xi32> to vector<1x16xi32>
      tpu.vector_store %arg9[%swap3A_238, %swap3A_239], %swap3A_242 {strides = array<i32>} : memref<2x1024xi32, #tpu.memory_space<vmem>>, vector<1x16xi32>,
      %swap3A_243 = arith.constant 1 : i32
      %swap3A_244 = arith.index_cast %swap3A_243 : i32 to index
      %swap3A_245 = arith.index_cast %add3A_154 : i32 to index
      %swap3A_246 = tpu.vector_load %arg9[%swap3A_244, %swap3A_245] {strides = array<i32>} : memref<2x1024xi32, #tpu.memory_space<vmem>>, vector<1x16xi32>,
      %swap3A_247 = vector.shape_cast %swap3A_246 : vector<1x16xi32> to vector<16xi32>
      %swap3A_248 = vector.shape_cast %select_n3A_215 : vector<16xi32> to vector<1x16xi32>
      tpu.vector_store %arg9[%swap3A_244, %swap3A_245], %swap3A_248 {strides = array<i32>} : memref<2x1024xi32, #tpu.memory_space<vmem>>, vector<1x16xi32>,
      %add3A_249 = arith.constant 32 : i32
      %add3A_250 = arith.addi %add3A_68, %add3A_249 : i32
      %get3A_251 = arith.constant 0 : i32
      %get3A_252 = arith.index_cast %get3A_251 : i32 to index
      %get3A_253 = arith.index_cast %add3A_250 : i32 to index
      %get3A_254 = tpu.vector_load %arg6[%get3A_252, %get3A_253] {strides = array<i32>} : memref<4x1024xf32, #tpu.memory_space<vmem>>, vector<1x16xf32>,
      %get3A_255 = vector.shape_cast %get3A_254 : vector<1x16xf32> to vector<16xf32>
      %get3A_256 = arith.constant 0 : i32
      %get3A_257 = arith.index_cast %get3A_256 : i32 to index
      %get3A_258 = arith.index_cast %add3A_250 : i32 to index
      %get3A_259 = tpu.vector_load %arg7[%get3A_257, %get3A_258] {strides = array<i32>} : memref<4x1024xi32, #tpu.memory_space<vmem>>, vector<1x16xi32>,
      %get3A_260 = vector.shape_cast %get3A_259 : vector<1x16xi32> to vector<16xi32>
      %get3A_261 = arith.constant 2 : i32
      %get3A_262 = arith.index_cast %get3A_261 : i32 to index
      %get3A_263 = arith.index_cast %add3A_250 : i32 to index
      %get3A_264 = tpu.vector_load %arg6[%get3A_262, %get3A_263] {strides = array<i32>} : memref<4x1024xf32, #tpu.memory_space<vmem>>, vector<1x16xf32>,
      %get3A_265 = vector.shape_cast %get3A_264 : vector<1x16xf32> to vector<16xf32>
      %get3A_266 = arith.constant 2 : i32
      %get3A_267 = arith.index_cast %get3A_266 : i32 to index
      %get3A_268 = arith.index_cast %add3A_250 : i32 to index
      %get3A_269 = tpu.vector_load %arg7[%get3A_267, %get3A_268] {strides = array<i32>} : memref<4x1024xi32, #tpu.memory_space<vmem>>, vector<1x16xi32>,
      %get3A_270 = vector.shape_cast %get3A_269 : vector<1x16xi32> to vector<16xi32>
      %broadcast_in_dim3A_271 = arith.constant 0xFF800000 : f32
      %broadcast_in_dim3A_272 = vector.broadcast %broadcast_in_dim3A_271 : f32 to vector<16xf32>
      %broadcast_in_dim3A_273 = arith.constant 0 : i32
      %broadcast_in_dim3A_274 = vector.broadcast %broadcast_in_dim3A_273 : i32 to vector<16xi32>
      %get3A_275 = arith.constant 1 : i32
      %get3A_276 = arith.index_cast %get3A_275 : i32 to index
      %get3A_277 = arith.index_cast %add3A_250 : i32 to index
      %get3A_278 = tpu.vector_load %arg6[%get3A_276, %get3A_277] {strides = array<i32>} : memref<4x1024xf32, #tpu.memory_space<vmem>>, vector<1x16xf32>,
      %get3A_279 = vector.shape_cast %get3A_278 : vector<1x16xf32> to vector<16xf32>
      %get3A_280 = arith.constant 1 : i32
      %get3A_281 = arith.index_cast %get3A_280 : i32 to index
      %get3A_282 = arith.index_cast %add3A_250 : i32 to index
      %get3A_283 = tpu.vector_load %arg7[%get3A_281, %get3A_282] {strides = array<i32>} : memref<4x1024xi32, #tpu.memory_space<vmem>>, vector<1x16xi32>,
      %get3A_284 = vector.shape_cast %get3A_283 : vector<1x16xi32> to vector<16xi32>
      %get3A_285 = arith.constant 3 : i32
      %get3A_286 = arith.index_cast %get3A_285 : i32 to index
      %get3A_287 = arith.index_cast %add3A_250 : i32 to index
      %get3A_288 = tpu.vector_load %arg6[%get3A_286, %get3A_287] {strides = array<i32>} : memref<4x1024xf32, #tpu.memory_space<vmem>>, vector<1x16xf32>,
      %get3A_289 = vector.shape_cast %get3A_288 : vector<1x16xf32> to vector<16xf32>
      %get3A_290 = arith.constant 3 : i32
      %get3A_291 = arith.index_cast %get3A_290 : i32 to index
      %get3A_292 = arith.index_cast %add3A_250 : i32 to index
      %get3A_293 = tpu.vector_load %arg7[%get3A_291, %get3A_292] {strides = array<i32>} : memref<4x1024xi32, #tpu.memory_space<vmem>>, vector<1x16xi32>,
      %get3A_294 = vector.shape_cast %get3A_293 : vector<1x16xi32> to vector<16xi32>
      %gt3A_295 = arith.cmpf ogt, %get3A_279, %get3A_255 : vector<16xf32>
      %gt3A_296 = arith.cmpf ogt, %get3A_279, %broadcast_in_dim3A_272 : vector<16xf32>
      %select_n3A_297 = arith.select %gt3A_296, %get3A_279, %broadcast_in_dim3A_272 : vector<16xi1>, vector<16xf32>
      %select_n3A_298 = arith.select %gt3A_295, %get3A_255, %select_n3A_297 : vector<16xi1>, vector<16xf32>
      %select_n3A_299 = arith.select %gt3A_296, %get3A_284, %broadcast_in_dim3A_274 : vector<16xi1>, vector<16xi32>
      %select_n3A_300 = arith.select %gt3A_295, %get3A_260, %select_n3A_299 : vector<16xi1>, vector<16xi32>
      %select_n3A_301 = arith.select %gt3A_295, %get3A_279, %get3A_255 : vector<16xi1>, vector<16xf32>
      %select_n3A_302 = arith.select %gt3A_295, %get3A_284, %get3A_260 : vector<16xi1>, vector<16xi32>
      %select_n3A_303 = arith.select %gt3A_295, %get3A_289, %get3A_265 : vector<16xi1>, vector<16xf32>
      %select_n3A_304 = arith.select %gt3A_295, %get3A_294, %get3A_270 : vector<16xi1>, vector<16xi32>
      %gt3A_305 = arith.cmpf ogt, %select_n3A_303, %select_n3A_298 : vector<16xf32>
      %eq3A_306 = arith.cmpf oeq, %select_n3A_303, %select_n3A_298 : vector<16xf32>
      %lt3A_307 = arith.cmpi slt, %select_n3A_304, %select_n3A_300 : vector<16xi32>
      %and3A_308 = arith.andi %eq3A_306, %lt3A_307 : vector<16xi1>
      %or3A_309 = arith.ori %gt3A_305, %and3A_308 : vector<16xi1>
      %select_n3A_310 = arith.select %or3A_309, %select_n3A_303, %select_n3A_298 : vector<16xi1>, vector<16xf32>
      %select_n3A_311 = arith.select %or3A_309, %select_n3A_304, %select_n3A_300 : vector<16xi1>, vector<16xi32>
      %sub3A_312 = arith.subf %select_n3A_310, %select_n3A_301 : vector<16xf32>
      %exp3A_313 = math.exp %sub3A_312 : vector<16xf32>
      %add3A_314 = arith.constant 1.000000e+00 : f32
      %add3A_315 = vector.broadcast %add3A_314 : f32 to vector<16xf32>
      %add3A_316 = arith.addf %add3A_315, %exp3A_313 : vector<16xf32>
      %div3A_317 = arith.divf %exp3A_313, %add3A_316 : vector<16xf32>
      %sub3A_318 = arith.constant 1.000000e+00 : f32
      %sub3A_319 = vector.broadcast %sub3A_318 : f32 to vector<16xf32>
      %sub3A_320 = arith.subf %sub3A_319, %div3A_317 : vector<16xf32>
      %swap3A_321 = arith.constant 0 : i32
      %swap3A_322 = arith.index_cast %swap3A_321 : i32 to index
      %swap3A_323 = arith.index_cast %add3A_250 : i32 to index
      %swap3A_324 = tpu.vector_load %arg8[%swap3A_322, %swap3A_323] {strides = array<i32>} : memref<2x1024xf32, #tpu.memory_space<vmem>>, vector<1x16xf32>,
      %swap3A_325 = vector.shape_cast %swap3A_324 : vector<1x16xf32> to vector<16xf32>
      %swap3A_326 = vector.shape_cast %sub3A_320 : vector<16xf32> to vector<1x16xf32>
      tpu.vector_store %arg8[%swap3A_322, %swap3A_323], %swap3A_326 {strides = array<i32>} : memref<2x1024xf32, #tpu.memory_space<vmem>>, vector<1x16xf32>,
      %swap3A_327 = arith.constant 1 : i32
      %swap3A_328 = arith.index_cast %swap3A_327 : i32 to index
      %swap3A_329 = arith.index_cast %add3A_250 : i32 to index
      %swap3A_330 = tpu.vector_load %arg8[%swap3A_328, %swap3A_329] {strides = array<i32>} : memref<2x1024xf32, #tpu.memory_space<vmem>>, vector<1x16xf32>,
      %swap3A_331 = vector.shape_cast %swap3A_330 : vector<1x16xf32> to vector<16xf32>
      %swap3A_332 = vector.shape_cast %div3A_317 : vector<16xf32> to vector<1x16xf32>
      tpu.vector_store %arg8[%swap3A_328, %swap3A_329], %swap3A_332 {strides = array<i32>} : memref<2x1024xf32, #tpu.memory_space<vmem>>, vector<1x16xf32>,
      %swap3A_333 = arith.constant 0 : i32
      %swap3A_334 = arith.index_cast %swap3A_333 : i32 to index
      %swap3A_335 = arith.index_cast %add3A_250 : i32 to index
      %swap3A_336 = tpu.vector_load %arg9[%swap3A_334, %swap3A_335] {strides = array<i32>} : memref<2x1024xi32, #tpu.memory_space<vmem>>, vector<1x16xi32>,
      %swap3A_337 = vector.shape_cast %swap3A_336 : vector<1x16xi32> to vector<16xi32>
      %swap3A_338 = vector.shape_cast %select_n3A_302 : vector<16xi32> to vector<1x16xi32>
      tpu.vector_store %arg9[%swap3A_334, %swap3A_335], %swap3A_338 {strides = array<i32>} : memref<2x1024xi32, #tpu.memory_space<vmem>>, vector<1x16xi32>,
      %swap3A_339 = arith.constant 1 : i32
      %swap3A_340 = arith.index_cast %swap3A_339 : i32 to index
      %swap3A_341 = arith.index_cast %add3A_250 : i32 to index
      %swap3A_342 = tpu.vector_load %arg9[%swap3A_340, %swap3A_341] {strides = array<i32>} : memref<2x1024xi32, #tpu.memory_space<vmem>>, vector<1x16xi32>,
      %swap3A_343 = vector.shape_cast %swap3A_342 : vector<1x16xi32> to vector<16xi32>
      %swap3A_344 = vector.shape_cast %select_n3A_311 : vector<16xi32> to vector<1x16xi32>
      tpu.vector_store %arg9[%swap3A_340, %swap3A_341], %swap3A_344 {strides = array<i32>} : memref<2x1024xi32, #tpu.memory_space<vmem>>, vector<1x16xi32>,
      %add3A_345 = arith.constant 48 : i32
      %add3A_346 = arith.addi %add3A_68, %add3A_345 : i32
      %get3A_347 = arith.constant 0 : i32
      %get3A_348 = arith.index_cast %get3A_347 : i32 to index
      %get3A_349 = arith.index_cast %add3A_346 : i32 to index
      %get3A_350 = tpu.vector_load %arg6[%get3A_348, %get3A_349] {strides = array<i32>} : memref<4x1024xf32, #tpu.memory_space<vmem>>, vector<1x16xf32>,
      %get3A_351 = vector.shape_cast %get3A_350 : vector<1x16xf32> to vector<16xf32>
      %get3A_352 = arith.constant 0 : i32
      %get3A_353 = arith.index_cast %get3A_352 : i32 to index
      %get3A_354 = arith.index_cast %add3A_346 : i32 to index
      %get3A_355 = tpu.vector_load %arg7[%get3A_353, %get3A_354] {strides = array<i32>} : memref<4x1024xi32, #tpu.memory_space<vmem>>, vector<1x16xi32>,
      %get3A_356 = vector.shape_cast %get3A_355 : vector<1x16xi32> to vector<16xi32>
      %get3A_357 = arith.constant 2 : i32
      %get3A_358 = arith.index_cast %get3A_357 : i32 to index
      %get3A_359 = arith.index_cast %add3A_346 : i32 to index
      %get3A_360 = tpu.vector_load %arg6[%get3A_358, %get3A_359] {strides = array<i32>} : memref<4x1024xf32, #tpu.memory_space<vmem>>, vector<1x16xf32>,
      %get3A_361 = vector.shape_cast %get3A_360 : vector<1x16xf32> to vector<16xf32>
      %get3A_362 = arith.constant 2 : i32
      %get3A_363 = arith.index_cast %get3A_362 : i32 to index
      %get3A_364 = arith.index_cast %add3A_346 : i32 to index
      %get3A_365 = tpu.vector_load %arg7[%get3A_363, %get3A_364] {strides = array<i32>} : memref<4x1024xi32, #tpu.memory_space<vmem>>, vector<1x16xi32>,
      %get3A_366 = vector.shape_cast %get3A_365 : vector<1x16xi32> to vector<16xi32>
      %broadcast_in_dim3A_367 = arith.constant 0xFF800000 : f32
      %broadcast_in_dim3A_368 = vector.broadcast %broadcast_in_dim3A_367 : f32 to vector<16xf32>
      %broadcast_in_dim3A_369 = arith.constant 0 : i32
      %broadcast_in_dim3A_370 = vector.broadcast %broadcast_in_dim3A_369 : i32 to vector<16xi32>
      %get3A_371 = arith.constant 1 : i32
      %get3A_372 = arith.index_cast %get3A_371 : i32 to index
      %get3A_373 = arith.index_cast %add3A_346 : i32 to index
      %get3A_374 = tpu.vector_load %arg6[%get3A_372, %get3A_373] {strides = array<i32>} : memref<4x1024xf32, #tpu.memory_space<vmem>>, vector<1x16xf32>,
      %get3A_375 = vector.shape_cast %get3A_374 : vector<1x16xf32> to vector<16xf32>
      %get3A_376 = arith.constant 1 : i32
      %get3A_377 = arith.index_cast %get3A_376 : i32 to index
      %get3A_378 = arith.index_cast %add3A_346 : i32 to index
      %get3A_379 = tpu.vector_load %arg7[%get3A_377, %get3A_378] {strides = array<i32>} : memref<4x1024xi32, #tpu.memory_space<vmem>>, vector<1x16xi32>,
      %get3A_380 = vector.shape_cast %get3A_379 : vector<1x16xi32> to vector<16xi32>
      %get3A_381 = arith.constant 3 : i32
      %get3A_382 = arith.index_cast %get3A_381 : i32 to index
      %get3A_383 = arith.index_cast %add3A_346 : i32 to index
      %get3A_384 = tpu.vector_load %arg6[%get3A_382, %get3A_383] {strides = array<i32>} : memref<4x1024xf32, #tpu.memory_space<vmem>>, vector<1x16xf32>,
      %get3A_385 = vector.shape_cast %get3A_384 : vector<1x16xf32> to vector<16xf32>
      %get3A_386 = arith.constant 3 : i32
      %get3A_387 = arith.index_cast %get3A_386 : i32 to index
      %get3A_388 = arith.index_cast %add3A_346 : i32 to index
      %get3A_389 = tpu.vector_load %arg7[%get3A_387, %get3A_388] {strides = array<i32>} : memref<4x1024xi32, #tpu.memory_space<vmem>>, vector<1x16xi32>,
      %get3A_390 = vector.shape_cast %get3A_389 : vector<1x16xi32> to vector<16xi32>
      %gt3A_391 = arith.cmpf ogt, %get3A_375, %get3A_351 : vector<16xf32>
      %gt3A_392 = arith.cmpf ogt, %get3A_375, %broadcast_in_dim3A_368 : vector<16xf32>
      %select_n3A_393 = arith.select %gt3A_392, %get3A_375, %broadcast_in_dim3A_368 : vector<16xi1>, vector<16xf32>
      %select_n3A_394 = arith.select %gt3A_391, %get3A_351, %select_n3A_393 : vector<16xi1>, vector<16xf32>
      %select_n3A_395 = arith.select %gt3A_392, %get3A_380, %broadcast_in_dim3A_370 : vector<16xi1>, vector<16xi32>
      %select_n3A_396 = arith.select %gt3A_391, %get3A_356, %select_n3A_395 : vector<16xi1>, vector<16xi32>
      %select_n3A_397 = arith.select %gt3A_391, %get3A_375, %get3A_351 : vector<16xi1>, vector<16xf32>
      %select_n3A_398 = arith.select %gt3A_391, %get3A_380, %get3A_356 : vector<16xi1>, vector<16xi32>
      %select_n3A_399 = arith.select %gt3A_391, %get3A_385, %get3A_361 : vector<16xi1>, vector<16xf32>
      %select_n3A_400 = arith.select %gt3A_391, %get3A_390, %get3A_366 : vector<16xi1>, vector<16xi32>
      %gt3A_401 = arith.cmpf ogt, %select_n3A_399, %select_n3A_394 : vector<16xf32>
      %eq3A_402 = arith.cmpf oeq, %select_n3A_399, %select_n3A_394 : vector<16xf32>
      %lt3A_403 = arith.cmpi slt, %select_n3A_400, %select_n3A_396 : vector<16xi32>
      %and3A_404 = arith.andi %eq3A_402, %lt3A_403 : vector<16xi1>
      %or3A_405 = arith.ori %gt3A_401, %and3A_404 : vector<16xi1>
      %select_n3A_406 = arith.select %or3A_405, %select_n3A_399, %select_n3A_394 : vector<16xi1>, vector<16xf32>
      %select_n3A_407 = arith.select %or3A_405, %select_n3A_400, %select_n3A_396 : vector<16xi1>, vector<16xi32>
      %sub3A_408 = arith.subf %select_n3A_406, %select_n3A_397 : vector<16xf32>
      %exp3A_409 = math.exp %sub3A_408 : vector<16xf32>
      %add3A_410 = arith.constant 1.000000e+00 : f32
      %add3A_411 = vector.broadcast %add3A_410 : f32 to vector<16xf32>
      %add3A_412 = arith.addf %add3A_411, %exp3A_409 : vector<16xf32>
      %div3A_413 = arith.divf %exp3A_409, %add3A_412 : vector<16xf32>
      %sub3A_414 = arith.constant 1.000000e+00 : f32
      %sub3A_415 = vector.broadcast %sub3A_414 : f32 to vector<16xf32>
      %sub3A_416 = arith.subf %sub3A_415, %div3A_413 : vector<16xf32>
      %swap3A_417 = arith.constant 0 : i32
      %swap3A_418 = arith.index_cast %swap3A_417 : i32 to index
      %swap3A_419 = arith.index_cast %add3A_346 : i32 to index
      %swap3A_420 = tpu.vector_load %arg8[%swap3A_418, %swap3A_419] {strides = array<i32>} : memref<2x1024xf32, #tpu.memory_space<vmem>>, vector<1x16xf32>,
      %swap3A_421 = vector.shape_cast %swap3A_420 : vector<1x16xf32> to vector<16xf32>
      %swap3A_422 = vector.shape_cast %sub3A_416 : vector<16xf32> to vector<1x16xf32>
      tpu.vector_store %arg8[%swap3A_418, %swap3A_419], %swap3A_422 {strides = array<i32>} : memref<2x1024xf32, #tpu.memory_space<vmem>>, vector<1x16xf32>,
      %swap3A_423 = arith.constant 1 : i32
      %swap3A_424 = arith.index_cast %swap3A_423 : i32 to index
      %swap3A_425 = arith.index_cast %add3A_346 : i32 to index
      %swap3A_426 = tpu.vector_load %arg8[%swap3A_424, %swap3A_425] {strides = array<i32>} : memref<2x1024xf32, #tpu.memory_space<vmem>>, vector<1x16xf32>,
      %swap3A_427 = vector.shape_cast %swap3A_426 : vector<1x16xf32> to vector<16xf32>
      %swap3A_428 = vector.shape_cast %div3A_413 : vector<16xf32> to vector<1x16xf32>
      tpu.vector_store %arg8[%swap3A_424, %swap3A_425], %swap3A_428 {strides = array<i32>} : memref<2x1024xf32, #tpu.memory_space<vmem>>, vector<1x16xf32>,
      %swap3A_429 = arith.constant 0 : i32
      %swap3A_430 = arith.index_cast %swap3A_429 : i32 to index
      %swap3A_431 = arith.index_cast %add3A_346 : i32 to index
      %swap3A_432 = tpu.vector_load %arg9[%swap3A_430, %swap3A_431] {strides = array<i32>} : memref<2x1024xi32, #tpu.memory_space<vmem>>, vector<1x16xi32>,
      %swap3A_433 = vector.shape_cast %swap3A_432 : vector<1x16xi32> to vector<16xi32>
      %swap3A_434 = vector.shape_cast %select_n3A_398 : vector<16xi32> to vector<1x16xi32>
      tpu.vector_store %arg9[%swap3A_430, %swap3A_431], %swap3A_434 {strides = array<i32>} : memref<2x1024xi32, #tpu.memory_space<vmem>>, vector<1x16xi32>,
      %swap3A_435 = arith.constant 1 : i32
      %swap3A_436 = arith.index_cast %swap3A_435 : i32 to index
      %swap3A_437 = arith.index_cast %add3A_346 : i32 to index
      %swap3A_438 = tpu.vector_load %arg9[%swap3A_436, %swap3A_437] {strides = array<i32>} : memref<2x1024xi32, #tpu.memory_space<vmem>>, vector<1x16xi32>,
      %swap3A_439 = vector.shape_cast %swap3A_438 : vector<1x16xi32> to vector<16xi32>
      %swap3A_440 = vector.shape_cast %select_n3A_407 : vector<16xi32> to vector<1x16xi32>
      tpu.vector_store %arg9[%swap3A_436, %swap3A_437], %swap3A_440 {strides = array<i32>} : memref<2x1024xi32, #tpu.memory_space<vmem>>, vector<1x16xi32>,
      %scan3A_441 = arith.constant 0 : i32
      scf.yield %scan3A_441 : i32
    }
    %scan3A_62 = arith.constant 16 : i32
    "tpu.region"() ({
      %run_scoped3A = tpu.sem_alloc : memref<!tpu.dma_semaphore, #tpu.memory_space<semaphore_mem>>
      %dma_start3A_63 = arith.constant 0 : i32
      %dma_start3A_64 = tpu.memref_slice %arg4[%dma_start3A_63, %mul3A_2] : memref<2x32768xf32, #tpu.memory_space<hbm>> -> memref<2x1024xf32, #tpu.memory_space<hbm>>
      %dma_start3A_65 = arith.constant 0 : i32
      %dma_start3A_66 = tpu.memref_slice %arg4[%dma_start3A_65, %mul3A_2] : memref<2x32768xf32, #tpu.memory_space<hbm>> -> memref<2x1024xf32, #tpu.memory_space<hbm>>
      tpu.enqueue_dma source(%arg8 : memref<2x1024xf32, #tpu.memory_space<vmem>>) target(%dma_start3A_66 : memref<2x1024xf32, #tpu.memory_space<hbm>>) target_semaphore(%run_scoped3A : memref<!tpu.dma_semaphore, #tpu.memory_space<semaphore_mem>>)
      %dma_wait3A_67 = arith.constant 0 : i32
      %dma_wait3A_68 = tpu.memref_slice %arg4[%dma_wait3A_67, %mul3A_2] : memref<2x32768xf32, #tpu.memory_space<hbm>> -> memref<2x1024xf32, #tpu.memory_space<hbm>>
      %dma_wait3A_69 = arith.constant 0 : i32
      %dma_wait3A_70 = tpu.memref_slice %arg4[%dma_wait3A_69, %mul3A_2] : memref<2x32768xf32, #tpu.memory_space<hbm>> -> memref<2x1024xf32, #tpu.memory_space<hbm>>
      tpu.wait_dma2 semaphore(%run_scoped3A : memref<!tpu.dma_semaphore, #tpu.memory_space<semaphore_mem>>) src(%arg8 : memref<2x1024xf32, #tpu.memory_space<vmem>>) dst(%dma_wait3A_70 : memref<2x1024xf32, #tpu.memory_space<hbm>>)
      tpu.yield
    }) : () -> ()
    "tpu.region"() ({
      %run_scoped3A = tpu.sem_alloc : memref<!tpu.dma_semaphore, #tpu.memory_space<semaphore_mem>>
      %dma_start3A_63 = arith.constant 0 : i32
      %dma_start3A_64 = tpu.memref_slice %arg5[%dma_start3A_63, %mul3A_2] : memref<2x32768xi32, #tpu.memory_space<hbm>> -> memref<2x1024xi32, #tpu.memory_space<hbm>>
      %dma_start3A_65 = arith.constant 0 : i32
      %dma_start3A_66 = tpu.memref_slice %arg5[%dma_start3A_65, %mul3A_2] : memref<2x32768xi32, #tpu.memory_space<hbm>> -> memref<2x1024xi32, #tpu.memory_space<hbm>>
      tpu.enqueue_dma source(%arg9 : memref<2x1024xi32, #tpu.memory_space<vmem>>) target(%dma_start3A_66 : memref<2x1024xi32, #tpu.memory_space<hbm>>) target_semaphore(%run_scoped3A : memref<!tpu.dma_semaphore, #tpu.memory_space<semaphore_mem>>)
      %dma_wait3A_67 = arith.constant 0 : i32
      %dma_wait3A_68 = tpu.memref_slice %arg5[%dma_wait3A_67, %mul3A_2] : memref<2x32768xi32, #tpu.memory_space<hbm>> -> memref<2x1024xi32, #tpu.memory_space<hbm>>
      %dma_wait3A_69 = arith.constant 0 : i32
      %dma_wait3A_70 = tpu.memref_slice %arg5[%dma_wait3A_69, %mul3A_2] : memref<2x32768xi32, #tpu.memory_space<hbm>> -> memref<2x1024xi32, #tpu.memory_space<hbm>>
      tpu.wait_dma2 semaphore(%run_scoped3A : memref<!tpu.dma_semaphore, #tpu.memory_space<semaphore_mem>>) src(%arg9 : memref<2x1024xi32, #tpu.memory_space<vmem>>) dst(%dma_wait3A_70 : memref<2x1024xi32, #tpu.memory_space<hbm>>)
      tpu.yield
    }) : () -> ()
    return
  }
}

module attributes {stable_mosaic.version = 14 : i64} {
  func.func @_logits_body(%arg0: i32, %arg1: memref<4096x768xf32, #tpu.memory_space<vmem>>, %arg2: memref<64x768xf32, #tpu.memory_space<vmem>>, %arg3: memref<1x768xf32, #tpu.memory_space<vmem>>, %arg4: memref<4x4096xf32, #tpu.memory_space<vmem>>, %arg5: memref<4x4096xi32, #tpu.memory_space<vmem>>) attributes {dimension_semantics = [#tpu.dimension_semantics<arbitrary>], iteration_bounds = array<i64: 8>, scalar_prefetch = 0 : i64, scratch_operands = 0 : i64, tpu.core_type = #tpu.core_type<tc>, window_params = [{transform_indices = @transform_0, window_bounds = array<i64: 4096, 768>}, {pipeline_mode = #tpu.pipeline_mode<synchronous>, transform_indices = @transform_1, window_bounds = array<i64: 64, 768>}, {pipeline_mode = #tpu.pipeline_mode<synchronous>, transform_indices = @transform_2, window_bounds = array<i64: 1, 768>}, {transform_indices = @transform_3, window_bounds = array<i64: 4, 4096>}, {transform_indices = @transform_4, window_bounds = array<i64: 4, 4096>}]} {
    %get3A = arith.constant 0 : index
    %get3A_0 = arith.constant 0 : index
    %get3A_1 = vector.load %arg1[%get3A, %get3A_0] : memref<4096x768xf32, #tpu.memory_space<vmem>>, vector<4096x768xf32>
    %mul3A = arith.mulf %get3A_1, %get3A_1 : vector<4096x768xf32>
    %reduce_sum3A = arith.constant dense<0.000000e+00> : vector<4096xf32>
    %reduce_sum3A_2 = vector.multi_reduction <add>, %mul3A, %reduce_sum3A [1] : vector<4096x768xf32> to vector<4096xf32>
    %broadcast_in_dim3A = vector.shape_cast %reduce_sum3A_2 : vector<4096xf32> to vector<4096x1xf32>
    %div3A = arith.constant 7.680000e+02 : f32
    %div3A_3 = vector.broadcast %div3A : f32 to vector<4096x1xf32>
    %div3A_4 = arith.divf %broadcast_in_dim3A, %div3A_3 : vector<4096x1xf32>
    %add3A = arith.constant 9.99999997E-7 : f32
    %add3A_5 = vector.broadcast %add3A : f32 to vector<4096x1xf32>
    %add3A_6 = arith.addf %div3A_4, %add3A_5 : vector<4096x1xf32>
    %rsqrt3A = math.rsqrt %add3A_6 : vector<4096x1xf32>
    %mul3A_7 = vector.broadcast %rsqrt3A : vector<4096x1xf32> to vector<4096x768xf32>
    %mul3A_8 = arith.mulf %get3A_1, %mul3A_7 : vector<4096x768xf32>
    %mul3A_9 = arith.constant 0.0360843912 : f32
    %mul3A_10 = vector.broadcast %mul3A_9 : f32 to vector<4096x768xf32>
    %mul3A_11 = arith.mulf %mul3A_8, %mul3A_10 : vector<4096x768xf32>
    %get3A_12 = arith.constant 0 : index
    %get3A_13 = arith.constant 0 : index
    %get3A_14 = vector.load %arg3[%get3A_12, %get3A_13] : memref<1x768xf32, #tpu.memory_space<vmem>>, vector<1x768xf32>
    %mul3A_15 = vector.broadcast %get3A_14 : vector<1x768xf32> to vector<4096x768xf32>
    %mul3A_16 = arith.mulf %mul3A_11, %mul3A_15 : vector<4096x768xf32>
    %convert_element_type3A = arith.truncf %mul3A_16 : vector<4096x768xf32> to vector<4096x768xbf16>
    %get3A_17 = arith.constant 0 : index
    %get3A_18 = arith.constant 0 : index
    %get3A_19 = vector.load %arg2[%get3A_17, %get3A_18] : memref<64x768xf32, #tpu.memory_space<vmem>>, vector<64x768xf32>
    %convert_element_type3A_20 = arith.truncf %get3A_19 : vector<64x768xf32> to vector<64x768xbf16>
    %dot_general3A = arith.constant dense<0.000000e+00> : vector<64x4096xf32>
    %dot_general3A_21 = tpu.matmul %convert_element_type3A_20, %convert_element_type3A, %dot_general3A {dimension_numbers = #tpu.dot_dimension_numbers<[1], [1], [0], [0], [0, 0, 1, 0], [], []>, transpose_lhs_hint = false} : vector<64x768xbf16>, vector<4096x768xbf16>, vector<64x4096xf32> -> vector<64x4096xf32>
    %reshape3A = vector.shape_cast %dot_general3A_21 : vector<64x4096xf32> to vector<2x32x4096xf32>
    %iota3A = tpu.iota {dimensions = array<i32: 1>} : vector<2x32x4096xi32>
    %reduce_max3A = arith.constant dense<0xFF800000> : vector<2x4096xf32>
    %reduce_max3A_22 = vector.multi_reduction <maximumf>, %reshape3A, %reduce_max3A [1] : vector<2x32x4096xf32> to vector<2x4096xf32>
    %broadcast_in_dim3A_23 = vector.shape_cast %reduce_max3A_22 : vector<2x4096xf32> to vector<2x1x4096xf32>
    %eq3A = vector.broadcast %broadcast_in_dim3A_23 : vector<2x1x4096xf32> to vector<2x32x4096xf32>
    %eq3A_24 = arith.cmpf oeq, %reshape3A, %eq3A : vector<2x32x4096xf32>
    %jit3A = arith.constant 32 : i32
    %broadcast_in_dim3A_25 = vector.broadcast %jit3A : i32 to vector<2x32x4096xi32>
    %select_n3A = arith.select %eq3A_24, %iota3A, %broadcast_in_dim3A_25 : vector<2x32x4096xi1>, vector<2x32x4096xi32>
    %reduce_min3A = arith.constant dense<2147483647> : vector<2x4096xi32>
    %reduce_min3A_26 = vector.multi_reduction <minsi>, %select_n3A, %reduce_min3A [1] : vector<2x32x4096xi32> to vector<2x4096xi32>
    %broadcast_in_dim3A_27 = vector.shape_cast %reduce_min3A_26 : vector<2x4096xi32> to vector<2x1x4096xi32>
    %eq3A_28 = vector.broadcast %broadcast_in_dim3A_27 : vector<2x1x4096xi32> to vector<2x32x4096xi32>
    %eq3A_29 = arith.cmpi eq, %iota3A, %eq3A_28 : vector<2x32x4096xi32>
    %jit3A_30 = arith.constant 0xFF800000 : f32
    %broadcast_in_dim3A_31 = vector.broadcast %jit3A_30 : f32 to vector<2x32x4096xf32>
    %select_n3A_32 = arith.select %eq3A_29, %broadcast_in_dim3A_31, %reshape3A : vector<2x32x4096xi1>, vector<2x32x4096xf32>
    %reduce_max3A_33 = arith.constant dense<0xFF800000> : vector<2x4096xf32>
    %reduce_max3A_34 = vector.multi_reduction <maximumf>, %select_n3A_32, %reduce_max3A_33 [1] : vector<2x32x4096xf32> to vector<2x4096xf32>
    %broadcast_in_dim3A_35 = vector.shape_cast %reduce_max3A_34 : vector<2x4096xf32> to vector<2x1x4096xf32>
    %eq3A_36 = vector.broadcast %broadcast_in_dim3A_35 : vector<2x1x4096xf32> to vector<2x32x4096xf32>
    %eq3A_37 = arith.cmpf oeq, %select_n3A_32, %eq3A_36 : vector<2x32x4096xf32>
    %jit3A_38 = arith.constant 32 : i32
    %broadcast_in_dim3A_39 = vector.broadcast %jit3A_38 : i32 to vector<2x32x4096xi32>
    %select_n3A_40 = arith.select %eq3A_37, %iota3A, %broadcast_in_dim3A_39 : vector<2x32x4096xi1>, vector<2x32x4096xi32>
    %reduce_min3A_41 = arith.constant dense<2147483647> : vector<2x4096xi32>
    %reduce_min3A_42 = vector.multi_reduction <minsi>, %select_n3A_40, %reduce_min3A_41 [1] : vector<2x32x4096xi32> to vector<2x4096xi32>
    %broadcast_in_dim3A_43 = vector.shape_cast %reduce_min3A_42 : vector<2x4096xi32> to vector<2x1x4096xi32>
    %iota3A_44 = tpu.iota {dimensions = array<i32: 0>} : vector<2x1x4096xi32>
    %mul3A_45 = arith.constant 32 : i32
    %mul3A_46 = vector.broadcast %mul3A_45 : i32 to vector<2x1x4096xi32>
    %mul3A_47 = arith.muli %iota3A_44, %mul3A_46 : vector<2x1x4096xi32>
    %add3A_48 = arith.addi %mul3A_47, %broadcast_in_dim3A_27 : vector<2x1x4096xi32>
    %reshape3A_49 = vector.shape_cast %add3A_48 : vector<2x1x4096xi32> to vector<2x4096xi32>
    %add3A_50 = arith.addi %mul3A_47, %broadcast_in_dim3A_43 : vector<2x1x4096xi32>
    %reshape3A_51 = vector.shape_cast %add3A_50 : vector<2x1x4096xi32> to vector<2x4096xi32>
    %reshape3A_52 = vector.shape_cast %broadcast_in_dim3A_23 : vector<2x1x4096xf32> to vector<2x4096xf32>
    %reshape3A_53 = vector.shape_cast %broadcast_in_dim3A_35 : vector<2x1x4096xf32> to vector<2x4096xf32>
    %concatenate3A = tpu.concatenate %reshape3A_52, %reshape3A_53 in 0 : vector<2x4096xf32>, vector<2x4096xf32> -> vector<4x4096xf32>
    %swap3A = arith.constant 0 : index
    %swap3A_54 = arith.constant 0 : index
    %swap3A_55 = vector.load %arg4[%swap3A, %swap3A_54] : memref<4x4096xf32, #tpu.memory_space<vmem>>, vector<4x4096xf32>
    tpu.vector_store %arg4[%swap3A, %swap3A_54], %concatenate3A {strides = array<i32>} : memref<4x4096xf32, #tpu.memory_space<vmem>>, vector<4x4096xf32>,
    %concatenate3A_56 = tpu.concatenate %reshape3A_49, %reshape3A_51 in 0 : vector<2x4096xi32>, vector<2x4096xi32> -> vector<4x4096xi32>
    %swap3A_57 = arith.constant 0 : index
    %swap3A_58 = arith.constant 0 : index
    %swap3A_59 = vector.load %arg5[%swap3A_57, %swap3A_58] : memref<4x4096xi32, #tpu.memory_space<vmem>>, vector<4x4096xi32>
    tpu.vector_store %arg5[%swap3A_57, %swap3A_58], %concatenate3A_56 {strides = array<i32>} : memref<4x4096xi32, #tpu.memory_space<vmem>>, vector<4x4096xi32>,
    return
  }
  func.func @transform_0(%arg0: i32) -> (i32, i32) {
    %c0_i32 = arith.constant 0 : i32
    %c0_i32_0 = arith.constant 0 : i32
    return %arg0, %c0_i32 : i32, i32
  }
  func.func @transform_1(%arg0: i32) -> (i32, i32) {
    %c0_i32 = arith.constant 0 : i32
    %c0_i32_0 = arith.constant 0 : i32
    %c0_i32_1 = arith.constant 0 : i32
    return %c0_i32, %c0_i32_0 : i32, i32
  }
  func.func @transform_2(%arg0: i32) -> (i32, i32) {
    %c0_i32 = arith.constant 0 : i32
    %c0_i32_0 = arith.constant 0 : i32
    %c0_i32_1 = arith.constant 0 : i32
    return %c0_i32, %c0_i32_0 : i32, i32
  }
  func.func @transform_3(%arg0: i32) -> (i32, i32) {
    %c0_i32 = arith.constant 0 : i32
    %c0_i32_0 = arith.constant 0 : i32
    return %c0_i32, %arg0 : i32, i32
  }
  func.func @transform_4(%arg0: i32) -> (i32, i32) {
    %c0_i32 = arith.constant 0 : i32
    %c0_i32_0 = arith.constant 0 : i32
    return %c0_i32, %arg0 : i32, i32
  }
}

</mosaic_0001>

<sc_bundles>
// kernel: kernel.4.cloned.1.call-start
scs
__scs_entry_jumppad:
0x0: {  	(pc) =	sbr.rel $0x88, $3  }
0x1: {  	(tag) =	ssettag $0x0;
	lr =	simm.s32 $0x1  }
0x2: {  	[smem:$0x3F9E] =	sst lr;
	_ =	strace $0xD0000000  }
0x3: {  	_ = 	snop  }
0x4: {  	_ = 	snop  }
0x5: {  	_ = 	snop  }
0x6: {  	_ = 	snop  }
0x7: {  	_ = 	snop  }
__scs_overlays_trampoline_lowered:
0x8: {  	[smem:$0x3FAD] =	sst s0  }
0x9: {  	[smem:$0x3FAE] =	sst s1  }
0xa: {  	[smem:$0x3FAF] =	sst s2  }
0xb: {  	[smem:$0x3FB0] =	sst s3  }
0xc: {  	[smem:$0x3FB1] =	sst s4  }
0xd: {  	[smem:$0x3FB2] =	sst s5  }
0xe: {  	[smem:$0x3FB3] =	sst s6  }
0xf: {  	[smem:$0x3FB4] =	sst s7  }
0x10: {  	[smem:$0x3FB5] =	sst s8  }
0x11: {  	[smem:$0x3FB6] =	sst s9;
	s0 =	simm.s32 @!p0 $0x0  }
0x12: {  	s1 =	sld [smem:$0x3F9C];
	s0 =	simm.s32 @p0 $0x1  }
0x13: {  	[smem:$0x3FB7] =	sst s0;
	s0 =	simm.s32 @!p1 $0x0  }
0x14: {  	s2 =	sld [smem:$0x3F9B];
	s0 =	simm.s32 @p1 $0x1  }
0x15: {  	[smem:$0x3FB8] =	sst s0;
	s0 =	simm.s32 @!p2 $0x0  }
0x16: {  	s3 =	sld [smem:$0x3FDB];
	s0 =	simm.s32 @p2 $0x1  }
0x17: {  	s4 =	simm.s32 $0x1BF5;
	[smem:$0x3FBA] =	sst s0  }
0x18: {  	s0 =	sld [smem:$0x3F9D];
	_ =	swait.ge [sflag:s4], $0x0  }
0x19: {  	s7 =	sld [smem:$0x3F9E]  }
0x1a: {  	s8 =	sadd.s32 $0xFFFFE003, lr  }
0x1b: {  	s9 =	sadd.s32 $0xFFFFFEF7, lr;
	s5 =	simm.s32 $0xFFFFFFFF;
	p2 =	slt.u32 s8, $0xFFFFF086  }
0x1c: {  	p1 =	slt.u32 s9, $0xF7A;
	s5 =	simm.s32 @!p2 $0x0  }
0x1d: {  	s5 =	simm.s32 @p1 $0x1;
	p0 =	seq.s32 s7, s2  }
0x1e: {  	s7 =	smul.u32 @!p0 $0xF7A, s2;
	p2 =	seq.s32 @!p0 s5, $0x0  }
0x1f: {  	s9 =	smul.u32 $0xF7A, s1;
	s8 =	simm.s32 @!p0 $0x1BF5;
	p2 =	por !p2, p0  }
0x20: {  	[sflag:s8] =	ssyncset.s32 @!p0 $0xFFFFF086;
	s6 =	sadd.s32 @!p0 s3, s7;
	s7 =	simm.s32 @!p0 $0x108  }
0x21: {  	s3 =	sadd.s32 s3, s9;
	s6 =	sadd.s32 @!p0 $0x88, s6;
	s7 =	simm.s32 @p2 $0x1082  }
0x22: {  	[simem:s7], [sflag:s8] =	dma.local @!p0 [hbm:s6], $0xF7A  }
0x23: {  	s9 =	sor.u32 $0xD0000000, s2;
	s6 =	simm.s32 $0x108;
	_ =	swait.ge @!p0 [sflag:s8], $0x0  }
0x24: {  	s3 =	sadd.s32 $0x88, s3;
	s6 =	simm.s32 @!p1 $0x1082;
	[sflag:s4] =	ssyncset.s32 $0xFFFFF086  }
0x25: {  	[simem:s6], [sflag:s4] =	dma.local [hbm:s3], $0xF7A  }
0x26: {  	[smem:$0x3F9E] =	sst s1;
	(tag) =	ssettag s2;
	_ =	strace s9  }
0x27: {  	s1 =	sld [smem:$0x3FAE]  }
0x28: {  	s2 =	sld [smem:$0x3FAF]  }
0x29: {  	s4 =	sld [smem:$0x3FB1]  }
0x2a: {  	p0 =	seq.s32 s5, $0x0;
	s5 =	sld [smem:$0x3FB2]  }
0x2b: {  	s6 =	sld [smem:$0x3FB3]  }
0x2c: {  	s7 =	sld [smem:$0x3FB4]  }
0x2d: {  	s3 =	simm.s32 $0x108;
	s8 =	sld [smem:$0x3FB5]  }
0x2e: {  	s3 =	simm.s32 @!p0 $0x1082;
	s9 =	sld [smem:$0x3FB6]  }
0x2f: {  	lr =	sadd.s32 s0, s3;
	s0 =	sld [smem:$0x3FAD]  }
0x30: {  	s3 =	sld [smem:$0x3FB0]  }
0x31: {  	[smem:$0x3FB9] =	sst s10  }
0x32: {  	s10 =	sld [smem:$0x3FB7];
	_ =	sdelay $0x3  }
0x33: {  	p0 =	seq.s32 s10, $0x1;
	s10 =	sld [smem:$0x3FB9];
	_ =	sdelay $0x3  }
0x34: {  	[smem:$0x3FB9] =	sst s10  }
0x35: {  	s10 =	sld [smem:$0x3FB8];
	_ =	sdelay $0x3  }
0x36: {  	p1 =	seq.s32 s10, $0x1;
	s10 =	sld [smem:$0x3FB9];
	_ =	sdelay $0x3  }
0x37: {  	[smem:$0x3FB9] =	sst s10  }
0x38: {  	s10 =	sld [smem:$0x3FBA]  }
0x39: {  	_ = 	snop;
	(pc) =	sbr.ind lr, $3  }
0x3a: {  	_ = 	snop  }
0x3b: {  	_ = 	snop  }
0x3c: {  	p2 =	seq.s32 s10, $0x1;
	s10 =	sld [smem:$0x3FB9]  }
0x3d: {  	_ =	shalt  }
0x3e: {  	_ =	shalt  }
0x3f: {  	_ =	shalt  }
0x40: {  	_ =	shalt  }
0x41: {  	_ =	shalt  }
0x42: {  	_ =	shalt  }
0x43: {  	_ =	shalt  }
0x44: {  	_ =	shalt  }
0x45: {  	_ =	shalt  }
0x46: {  	_ =	shalt  }
0x47: {  	_ =	shalt  }
0x48: {  	_ =	shalt  }
0x49: {  	_ =	shalt  }
0x4a: {  	_ =	shalt  }
0x4b: {  	_ =	shalt  }
0x4c: {  	_ =	shalt  }
0x4d: {  	_ =	shalt  }
0x4e: {  	_ =	shalt  }
0x4f: {  	_ =	shalt  }
0x50: {  	_ =	shalt  }
0x51: {  	_ =	shalt  }
0x52: {  	_ =	shalt  }
0x53: {  	_ =	shalt  }
0x54: {  	_ =	shalt  }
0x55: {  	_ =	shalt  }
0x56: {  	_ =	shalt  }
0x57: {  	_ =	shalt  }
0x58: {  	_ =	shalt  }
0x59: {  	_ =	shalt  }
0x5a: {  	_ =	shalt  }
0x5b: {  	_ =	shalt  }
0x5c: {  	_ =	shalt  }
0x5d: {  	_ =	shalt  }
0x5e: {  	_ =	shalt  }
0x5f: {  	_ =	shalt  }
0x60: {  	_ =	shalt  }
0x61: {  	_ =	shalt  }
0x62: {  	_ =	shalt  }
0x63: {  	_ =	shalt  }
0x64: {  	_ =	shalt  }
0x65: {  	_ =	shalt  }
0x66: {  	_ =	shalt  }
0x67: {  	_ =	shalt  }
0x68: {  	_ =	shalt  }
0x69: {  	_ =	shalt  }
0x6a: {  	_ =	shalt  }
0x6b: {  	_ =	shalt  }
0x6c: {  	_ =	shalt  }
0x6d: {  	_ =	shalt  }
0x6e: {  	_ =	shalt  }
0x6f: {  	_ =	shalt  }
0x70: {  	_ =	shalt  }
0x71: {  	_ =	shalt  }
0x72: {  	_ =	shalt  }
0x73: {  	_ =	shalt  }
0x74: {  	_ =	shalt  }
0x75: {  	_ =	shalt  }
0x76: {  	_ =	shalt  }
0x77: {  	_ =	shalt  }
0x78: {  	_ =	shalt  }
0x79: {  	_ =	shalt  }
0x7a: {  	_ =	shalt  }
0x7b: {  	_ =	shalt  }
0x7c: {  	_ =	shalt  }
0x7d: {  	_ =	shalt  }
0x7e: {  	_ =	shalt  }
0x7f: {  	_ =	shalt  }
0x80: {  	_ =	shalt  }
0x81: {  	_ =	shalt  }
0x82: {  	_ =	shalt  }
0x83: {  	_ =	shalt  }
0x84: {  	_ =	shalt  }
0x85: {  	_ =	shalt  }
0x86: {  	_ =	shalt  }
0x87: {  	_ =	shalt  }
.Lfunc_end0:
.L_simem_size_0:
called_computation_lowered:
.L_overlay_start_0:
0x88: {  	s2 =	sld [smem:$0x3FD9]  }
0x89: {  	s3 =	sld [smem:$0x3FFE];
	_ =	sdelay $0x1  }
0x8a: {  	s1 =	srdreg.scid  }
0x8b: {  	s0 =	sand.u32 $0x1, s1  }
0x8c: {  	s14 =	sshll.u32 s0, $0xA;
	s2 =	sadd.s32 s3, s2  }
0x8d: {  	s2 =	sadd.s32 s2, s14  }
0x8e: {  	[smem:$0x3FC5] =	sst s2  }
0x8f: {  	_ = 	snop  }
0x90: {  	s2 =	sld [smem:$0x3FD0];
	_ =	sdelay $0x2  }
0x91: {  	s15 =	simm.s32 $0xA;
	s4 =	simm.s32 $0x10  }
0x92: {  	[smem:s4], [sflag:s15] =	dma.local [hbm:s2], $0x1  }
0x93: {  	_ =	swait.eq [sflag:s15], $0x1  }
0x94: {  	[sflag:s15] =	ssyncset.done $0x0  }
0x95: {  	s16 =	sld [smem:$0x10];
	[sflag:s15] =	ssyncadd.s32 $0xFFFFFFFF  }
0x96: {  	s17 =	sld [smem:$0x11];
	(tm) =	ssettm $0x1  }
0x97: {  	s18 =	sld [smem:$0x3FFB];
	_ =	sdelay $0x3  }
0x98: {  	_ =	strace s18  }
0x99: {  	s4 =	sld [smem:$0x3FFC];
	_ =	sdelay $0x3  }
0x9a: {  	_ =	strace s4  }
0x9b: {  	s4 =	sld [smem:$0x3FFD];
	_ =	sdelay $0x3  }
0x9c: {  	_ =	strace s4  }
0x9d: {  	_ =	strace $0x8FFFFFFF  }
0x9e: {  	s19 =	sld [smem:$0x3FDB];
	_ =	sdelay $0x1  }
0x9f: {  	s5 =	simm.s32 $_scs_section_size  }
0xa0: {  	s6 =	simm.s32 $_size__tile_overlayer_lowered;
	s7 =	simm.s32 $_tile_overlayer_lowered  }
0xa1: {  	s22 =	simm.s32 $0x1BFF;
	s21 =	sshll.u32 s7, $0x1;
	s4 =	sadd.s32 s5, s19  }
0xa2: {  	s8 =	simm.s32 $0x0;
	s20 =	sshll.u32 s6, $0x1;
	s6 =	sadd.s32 s21, s4  }
0xa3: {  	[timem:s8], [sflag:s22] =	dma.local [hbm:s6], s20  }
0xa4: {  	_ =	swait.ge [sflag:s22], s20  }
0xa5: {  	s5 =	ssub.s32 $0x0, s20;
	[sflag:s22] =	ssyncset.done $0x0  }
0xa6: {  	[sflag:s22] =	ssyncadd.s32 s5;
	_ =	sdelay $0x1  }
0xa7: {  	s23 =	simm.s32 $0x1B8B  }
0xa8: {  	_ =	swait.ge [sflag:s23], $0x1  }
0xa9: {  	[sflag:s23] =	ssyncset.done $0x0  }
0xaa: {  	s25 =	simm.s32 $0x1B8E;
	s24 =	sld [smem:$0x3FFE];
	[sflag:s23] =	ssyncadd.s32 $0xFFFFFFFF  }
0xab: {  	s26 =	simm.s32 $execute0_lowered;
	[smem:$0x3FD2] =	sst s25  }
0xac: {  	s6 =	sshll.u32 s26, $0x1;
	_ =	strace $0x80000046;
	[dreg:$0x1] =	wrdreg $0xFFFFFFFF  }
0xad: {  	s28 =	simm.s32 $_size_execute0_lowered;
	s4 =	sadd.s32 s4, s6;
	[dreg:$0x0] =	wrdreg $0x0  }
0xae: {  	s6 =	sshll.u32 s28, $0x1;
	[dreg:$0x2] =	wrdreg s4  }
0xaf: {  	[dreg:$0x3] =	wrdreg s6  }
0xb0: {  	[dreg:$0x4] =	wrdreg $0xC0  }
0xb1: {  	_ =	task [dreg:s8], $0x5FFFF  }
0xb2: {  	[dreg:$0x1] =	wrdreg $0xFFFFFFFF  }
0xb3: {  	[dreg:$0x0] =	wrdreg $0x60  }
0xb4: {  	[dreg:$0x2] =	wrdreg s24  }
0xb5: {  	[dreg:$0x3] =	wrdreg s16  }
0xb6: {  	[dreg:$0x4] =	wrdreg s17  }
0xb7: {  	[dreg:$0x5] =	wrdreg $0x9  }
0xb8: {  	_ =	task.clear_ibuf [dreg:s8], $0x6FFFF;
	_ =	strace $0x90000046  }
0xb9: {  	s29 =	simm.s32 $0x9;
	_ =	strace $0x80000048  }
0xba: {  	_ =	swait.ge [sflag:s29], $0x1  }
0xbb: {  	[sflag:s29] =	ssyncadd.s32 $0xFFFFFFFF  }
0xbc: {  	_ =	strace $0x90000048  }
0xbd: {  	_ =	sfence  }
0xbe: {  	s30 =	sld [smem:$0x0];
	_ =	sdelay $0x2  }
0xbf: {  	s31 =	sshll.u32 s1, $0xD;
	s1 =	sshrl.u32 s1, $0x2  }
0xc0: {  	s3 =	sand.u32 $0x4000, s31;
	s1 =	sadd.s32 s1, s30  }
0xc1: {  	s0 =	sor.u32 s3, s0;
	s1 =	sshll.u32 s1, $0x11  }
0xc2: {  	s0 =	sor.u32 s1, s0  }
0xc3: {  	s0 =	sadd.s32 $0x8F2B, s0  }
0xc4: {  	[sflag:s0] =	ssyncadd.remote.s32 $0x1  }
0xc5: {  	_ =	sfence.sel $0xFFFF  }
0xc6: {  	[dreg:$0x0] =	wrdreg $0xFFFFFFFF;
	(pc) =	sbr.abs _section_cstart, $3  }
0xc7: {  	[dreg:$0x1] =	wrdreg $0xFFFFFFFF  }
0xc8: {  	_ =	task.clear_ibuf [dreg:s8], $0x2FFFF;
	_ =	strace $0x9FFFFFFF  }
0xc9: {  	(tm) =	ssettm $0x7FFFFFFF  }
tec
execute0_lowered:
.L_overlay_start_1:
0x0: {  	(tag) =	ssettag $0x1  }
0x1: {  	s3 =	rddreg [dreg:$0x0]  }
0x2: {  	s5 =	rddreg [dreg:$0x1]  }
0x3: {  	s6 =	rddreg [dreg:$0x2];
	s2 =	srdreg.scid  }
0x4: {  	s0 =	rddreg [dreg:$0x3];
	s1 =	stileid.u32;
	s10 =	simm.s32 $0x2  }
0x5: {  	s11 =	simm.s32 $0x2000;
	s12 =	simm.s32 $0x3;
	s13 =	simm.s32 $0x2800  }
0x6: {  	s14 =	simm.s32 $0x0;
	s4 =	sand.u32 $0x1, s2;
	s2 =	simm.s32 $0x0  }
0x7: {  	s7 =	sshll.u32 s1, $0xB;
	s8 =	sshll.u32 s4, $0xA;
	[smem:$0x7FF] =	sst s2  }
0x8: {  	s4 =	ssub.s32 $0x2, s4;
	s7 =	sor.u32 s8, s7;
	_ =	strace $0x80000047  }
0x9: {  	s9 =	sshrl.u32 s4, $0x1;
	s8 =	sshrl.u32 s7, $0x1;
	s7 =	sshrl.u32 s7, $0x2  }
0xa: {  	s9 =	ssub.s32 s4, s9;
	s8 =	sadd.s32 s8, s3;
	s5 =	sadd.s32 s5, s7  }
0xb: {  	s6 =	sadd.s32 s6, s7;
	s7 =	smax.u32 s9, $0x1;
	s9 =	simm.s32 $0x1  }
0xc: {  	s3 =	sadd.s32 $0x1000, s8;
	s4 =	sadd.s32 $0x5000, s8;
	s8 =	simm.s32 $0x1000  }
.LBB2_1:
0xd: {  	[tilespmem:s2], [sflag:$0x1] =	stream.linear.gather [hbm4b:s3+s2], $0x1000, $0x38;
	[tilespmem:$0x3000] =	vst v63  }
0xe: {  	_ = 	snop  }
0xf: {  	[tilespmem:s8], [sflag:$0x2] =	stream.linear.gather [hbm4b:s4+s2], $0x1000, $0x38;
	[tilespmem:$0x3000] =	vst v63  }
0x10: {  	_ =	swait.ge [sflag:s9], $0x1000  }
0x11: {  	[sflag:s9] =	ssyncset.done $0x0  }
0x12: {  	[sflag:s9] =	ssyncadd.s32 $0xFFFFF000  }
0x13: {  	_ =	swait.ge [sflag:s10], $0x1000  }
0x14: {  	s16 =	sand.u32 $0x40, s2;
	s15 =	simm.s32 $0x0;
	[sflag:s10] =	ssyncset.done $0x0  }
0x15: {  	s17 =	sor.u32 s16, s15;
	[sflag:s10] =	ssyncadd.s32 $0xFFFFF000  }
0x16: {  	v0 =	vld [tilespmem:s17+$0x100]  }
0x17: {  	v1 =	vld [tilespmem:s17+$0x0]  }
0x18: {  	v2 =	vld [tilespmem:s17+$0x1080]  }
0x19: {  	v3 =	vld [tilespmem:s17+$0x80]  }
0x1a: {  	v4 =	vld [tilespmem:s17+$0x1180]  }
0x1b: {  	v5 =	vld [tilespmem:s17+$0x180]  }
0x1c: {  	v6 =	vld [tilespmem:s17+$0x1000]  }
0x1d: {  	v7 =	vld [tilespmem:s17+$0x1100];
	_ =	sdelay $0x1  }
0x1e: {  	vm0 =	vlt.f32 v3, $-Inf;
	vm1 =	vgt.f32 v3, $-Inf  }
0x1f: {  	vm7 =	vgt.f32 v3, v1;
	vm0 =	vmor vm1, vm0  }
0x20: {  	v0 =	vsel vm7, v5, v0;
	v8 =	vnsel vm0, $0xFF800000, v3;
	v9 =	vnsel vm0, $0x0, v2  }
0x21: {  	v4 =	vsel vm7, v4, v7;
	v8 =	vsel vm7, v1, v8;
	v9 =	vsel vm7, v6, v9  }
0x22: {  	vm8 =	veq.f32 v0, v8;
	vm2 =	vlt.s32 v4, v9  }
0x23: {  	vm9 =	vgt.f32 v0, v8;
	vm0 =	vmand vm8, vm2  }
0x24: {  	vm0 =	vmor vm9, vm0  }
0x25: {  	v1 =	vsel vm7, v3, v1;
	v0 =	vsel vm0, v0, v8  }
0x26: {  	v0 =	vsub.f32 v0, v1;
	_ =	sdelay $0x1  }
0x27: {  	v0 =	vmul.f32 $1.442695020e+00, v0;
	_ =	sdelay $0x1  }
0x28: {  	(erf) = vpow2.f32 v0;
	_ =	sdelay $0x8  }
0x29: {  	v0 =	vpop (erf)  }
0x2a: {  	v33 =	vadd.f32 $1.000000000e+00, v0;
	_ =	sdelay $0x1  }
0x2b: {  	(erf) = vrcp.f32 v33;
	_ =	sdelay $0x8  }
0x2c: {  	s25 =	simm.s32 $0x0;
	v1 =	vpop (erf)  }
0x2d: {  	s18 =	sor.u32 s16, s25;
	v2 =	vsel vm7, v2, v6;
	v0 =	vmul.f32 v1, v0  }
0x2e: {  	[tilespmem:s18+$0x2800] =	vst v2;
	v34 =	vsel vm0, v4, v9  }
0x2f: {  	[tilespmem:s18+$0x2880] =	vst v34;
	v35 =	vsub.f32 $1.000000000e+00, v0  }
0x30: {  	s19 =	sor.u32 $0x10, s16;
	[tilespmem:s18+$0x2080] =	vst v0  }
0x31: {  	s26 =	sor.u32 s15, s19;
	[tilespmem:s18+$0x2000] =	vst v35  }
0x32: {  	v0 =	vld [tilespmem:s26+$0x180]  }
0x33: {  	v1 =	vld [tilespmem:s26+$0x100]  }
0x34: {  	v2 =	vld [tilespmem:s26+$0x1080]  }
0x35: {  	v36 =	vld [tilespmem:s26+$0x80]  }
0x36: {  	v37 =	vld [tilespmem:s26+$0x1180]  }
0x37: {  	v38 =	vld [tilespmem:s26+$0x0]  }
0x38: {  	v39 =	vld [tilespmem:s26+$0x1000]  }
0x39: {  	v40 =	vld [tilespmem:s26+$0x1100];
	_ =	sdelay $0x1  }
0x3a: {  	vm10 =	vlt.f32 v36, $-Inf;
	vm11 =	vgt.f32 v36, $-Inf  }
0x3b: {  	vm12 =	vgt.f32 v36, v38;
	vm0 =	vmor vm11, vm10  }
0x3c: {  	v0 =	vsel vm12, v0, v1;
	v41 =	vnsel vm0, $0xFF800000, v36;
	v42 =	vnsel vm0, $0x0, v2  }
0x3d: {  	v43 =	vsel vm12, v37, v40;
	v8 =	vsel vm12, v38, v41;
	v9 =	vsel vm12, v39, v42  }
0x3e: {  	vm13 =	veq.f32 v0, v8;
	vm14 =	vlt.s32 v43, v9  }
0x3f: {  	vm15 =	vgt.f32 v0, v8;
	vm0 =	vmand vm13, vm14  }
0x40: {  	vm0 =	vmor vm15, vm0  }
0x41: {  	v3 =	vsel vm12, v36, v38;
	v0 =	vsel vm0, v0, v8  }
0x42: {  	v0 =	vsub.f32 v0, v3;
	_ =	sdelay $0x1  }
0x43: {  	v0 =	vmul.f32 $1.442695020e+00, v0;
	_ =	sdelay $0x1  }
0x44: {  	(erf) = vpow2.f32 v0;
	_ =	sdelay $0x8  }
0x45: {  	v0 =	vpop (erf)  }
0x46: {  	v44 =	vadd.f32 $1.000000000e+00, v0;
	_ =	sdelay $0x1  }
0x47: {  	(erf) = vrcp.f32 v44;
	_ =	sdelay $0x8  }
0x48: {  	v3 =	vpop (erf)  }
0x49: {  	s28 =	sor.u32 s25, s19;
	v2 =	vsel vm12, v2, v39;
	v0 =	vmul.f32 v3, v0  }
0x4a: {  	[tilespmem:s28+$0x2800] =	vst v2;
	v1 =	vsel vm0, v43, v9  }
0x4b: {  	[tilespmem:s28+$0x2880] =	vst v1;
	v45 =	vsub.f32 $1.000000000e+00, v0  }
0x4c: {  	s29 =	sor.u32 $0x20, s16;
	[tilespmem:s28+$0x2080] =	vst v0  }
0x4d: {  	s30 =	sor.u32 s15, s29;
	[tilespmem:s28+$0x2000] =	vst v45  }
0x4e: {  	v0 =	vld [tilespmem:s30+$0x1180]  }
0x4f: {  	v1 =	vld [tilespmem:s30+$0x0]  }
0x50: {  	v2 =	vld [tilespmem:s30+$0x1080]  }
0x51: {  	v46 =	vld [tilespmem:s30+$0x80]  }
0x52: {  	v47 =	vld [tilespmem:s30+$0x180]  }
0x53: {  	v48 =	vld [tilespmem:s30+$0x100]  }
0x54: {  	v49 =	vld [tilespmem:s30+$0x1000]  }
0x55: {  	v50 =	vld [tilespmem:s30+$0x1100];
	_ =	sdelay $0x1  }
0x56: {  	vm4 =	vlt.f32 v46, $-Inf;
	vm5 =	vgt.f32 v46, $-Inf  }
0x57: {  	vm6 =	vgt.f32 v46, v1;
	vm0 =	vmor vm5, vm4  }
0x58: {  	v4 =	vsel vm6, v47, v48;
	v51 =	vnsel vm0, $0xFF800000, v46;
	v52 =	vnsel vm0, $0x0, v2  }
0x59: {  	v0 =	vsel vm6, v0, v50;
	v8 =	vsel vm6, v1, v51;
	v9 =	vsel vm6, v49, v52  }
0x5a: {  	vm7 =	veq.f32 v4, v8;
	vm8 =	vlt.s32 v0, v9  }
0x5b: {  	vm9 =	vgt.f32 v4, v8;
	vm0 =	vmand vm7, vm8  }
0x5c: {  	vm0 =	vmor vm9, vm0  }
0x5d: {  	v1 =	vsel vm6, v46, v1;
	v53 =	vsel vm0, v4, v8  }
0x5e: {  	v1 =	vsub.f32 v53, v1;
	_ =	sdelay $0x1  }
0x5f: {  	v1 =	vmul.f32 $1.442695020e+00, v1;
	_ =	sdelay $0x1  }
0x60: {  	(erf) = vpow2.f32 v1;
	_ =	sdelay $0x8  }
0x61: {  	v1 =	vpop (erf)  }
0x62: {  	v54 =	vadd.f32 $1.000000000e+00, v1;
	_ =	sdelay $0x1  }
0x63: {  	(erf) = vrcp.f32 v54;
	_ =	sdelay $0x8  }
0x64: {  	v3 =	vpop (erf)  }
0x65: {  	s31 =	sor.u32 s25, s29;
	v2 =	vsel vm6, v2, v49;
	v1 =	vmul.f32 v3, v1  }
0x66: {  	[tilespmem:s31+$0x2800] =	vst v2;
	v0 =	vsel vm0, v0, v9  }
0x67: {  	[tilespmem:s31+$0x2880] =	vst v0;
	v55 =	vsub.f32 $1.000000000e+00, v1  }
0x68: {  	s16 =	sor.u32 $0x30, s16;
	[tilespmem:s31+$0x2080] =	vst v1  }
0x69: {  	s15 =	sor.u32 s15, s16;
	[tilespmem:s31+$0x2000] =	vst v55  }
0x6a: {  	v0 =	vld [tilespmem:s15+$0x1100]  }
0x6b: {  	v1 =	vld [tilespmem:s15+$0x0]  }
0x6c: {  	v2 =	vld [tilespmem:s15+$0x1080]  }
0x6d: {  	v56 =	vld [tilespmem:s15+$0x80]  }
0x6e: {  	v57 =	vld [tilespmem:s15+$0x1000]  }
0x6f: {  	v58 =	vld [tilespmem:s15+$0x100]  }
0x70: {  	v59 =	vld [tilespmem:s15+$0x180]  }
0x71: {  	v60 =	vld [tilespmem:s15+$0x1180];
	_ =	sdelay $0x1  }
0x72: {  	vm10 =	vlt.f32 v56, $-Inf;
	vm11 =	vgt.f32 v56, $-Inf  }
0x73: {  	vm12 =	vgt.f32 v56, v1;
	vm0 =	vmor vm11, vm10  }
0x74: {  	v5 =	vsel vm12, v59, v58;
	v61 =	vnsel vm0, $0xFF800000, v56;
	v62 =	vnsel vm0, $0x0, v2  }
0x75: {  	v0 =	vsel vm12, v60, v0;
	v8 =	vsel vm12, v1, v61;
	v9 =	vsel vm12, v57, v62  }
0x76: {  	vm13 =	veq.f32 v5, v8;
	vm14 =	vlt.s32 v0, v9  }
0x77: {  	vm15 =	vgt.f32 v5, v8;
	vm0 =	vmand vm13, vm14  }
0x78: {  	vm0 =	vmor vm15, vm0  }
0x79: {  	v1 =	vsel vm12, v56, v1;
	v63 =	vsel vm0, v5, v8  }
0x7a: {  	v1 =	vsub.f32 v63, v1;
	_ =	sdelay $0x1  }
0x7b: {  	s23 =	sor.u32 s25, s16;
	v2 =	vsel vm12, v2, v57;
	v1 =	vmul.f32 $1.442695020e+00, v1  }
0x7c: {  	[tilespmem:s23+$0x2800] =	vst v2;
	v0 =	vsel vm0, v0, v9  }
0x7d: {  	s16 =	simm.s32 $0x0;
	s15 =	simm.s32 $0x1;
	[tilespmem:s23+$0x2880] =	vst v0;
	(erf) = vpow2.f32 v1  }
.LBB2_2:
0x7e: {  	_ =	sdelay $0x2  }
0x7f: {  	p0 =	sne.s32 s15, $0xF  }
0x80: {  	s16 =	sadd.s32 $0x40, s16;
	s17 =	smov.u32 s15;
	s15 =	sadd.s32 $0x1, s15  }
0x81: {  	_ =	sdelay $0x2  }
0x82: {  	v0 =	vpop (erf)  }
0x83: {  	v1 =	vadd.f32 $1.000000000e+00, v0;
	_ =	sdelay $0x1  }
0x84: {  	(erf) = vrcp.f32 v1;
	_ =	sdelay $0x8  }
0x85: {  	v1 =	vpop (erf)  }
0x86: {  	s17 =	sshrl.u32 s17, $0x1;
	v0 =	vmul.f32 v1, v0  }
0x87: {  	s22 =	sand.u32 $0x40, s16;
	s19 =	sshll.u32 s17, $0x9;
	s17 =	sshll.u32 s17, $0x8  }
0x88: {  	s21 =	sor.u32 $0x10, s22;
	s20 =	sor.u32 $0x20, s22;
	s24 =	sor.u32 s22, s19;
	v1 =	vsub.f32 $1.000000000e+00, v0;
	[tilespmem:s23+$0x2080] =	vst v0  }
0x89: {  	s18 =	sor.u32 $0x30, s22  }
0x8a: {  	[tilespmem:s23+$0x2000] =	vst v1  }
0x8b: {  	v0 =	vld [tilespmem:s24+$0x100]  }
0x8c: {  	v1 =	vld [tilespmem:s24+$0x0]  }
0x8d: {  	v2 =	vld [tilespmem:s24+$0x1080]  }
0x8e: {  	v3 =	vld [tilespmem:s24+$0x80]  }
0x8f: {  	v4 =	vld [tilespmem:s24+$0x1180]  }
0x90: {  	v5 =	vld [tilespmem:s24+$0x180]  }
0x91: {  	v6 =	vld [tilespmem:s24+$0x1000]  }
0x92: {  	v7 =	vld [tilespmem:s24+$0x1100]  }
0x93: {  	vm0 =	vlt.f32 v3, $-Inf;
	vm1 =	vgt.f32 v3, $-Inf  }
0x94: {  	vm0 =	vmor vm1, vm0  }
0x95: {  	vm1 =	vgt.f32 v3, v1;
	v8 =	vnsel vm0, $0xFF800000, v3;
	v9 =	vnsel vm0, $0x0, v2  }
0x96: {  	v0 =	vsel vm1, v5, v0;
	v8 =	vsel vm1, v1, v8;
	v9 =	vsel vm1, v6, v9  }
0x97: {  	v1 =	vsel vm1, v3, v1;
	v3 =	vsel vm1, v4, v7;
	vm0 =	veq.f32 v0, v8  }
0x98: {  	v2 =	vsel vm1, v2, v6;
	vm1 =	vgt.f32 v0, v8;
	vm2 =	vlt.s32 v3, v9  }
0x99: {  	vm0 =	vmand vm0, vm2  }
0x9a: {  	vm0 =	vmor vm1, vm0  }
0x9b: {  	v0 =	vsel vm0, v0, v8;
	v3 =	vsel vm0, v3, v9  }
0x9c: {  	v0 =	vsub.f32 v0, v1;
	_ =	sdelay $0x1  }
0x9d: {  	v0 =	vmul.f32 $1.442695020e+00, v0;
	_ =	sdelay $0x1  }
0x9e: {  	(erf) = vpow2.f32 v0;
	_ =	sdelay $0x8  }
0x9f: {  	v0 =	vpop (erf)  }
0xa0: {  	v1 =	vadd.f32 $1.000000000e+00, v0;
	_ =	sdelay $0x1  }
0xa1: {  	(erf) = vrcp.f32 v1;
	_ =	sdelay $0x8  }
0xa2: {  	v1 =	vpop (erf)  }
0xa3: {  	s22 =	sor.u32 s22, s17;
	v0 =	vmul.f32 v1, v0  }
0xa4: {  	[tilespmem:s22+$0x2800] =	vst v2  }
0xa5: {  	v1 =	vsub.f32 $1.000000000e+00, v0;
	[tilespmem:s22+$0x2080] =	vst v0  }
0xa6: {  	[tilespmem:s22+$0x2880] =	vst v3  }
0xa7: {  	[tilespmem:s22+$0x2000] =	vst v1;
	s22 =	sor.u32 s19, s21  }
0xa8: {  	v0 =	vld [tilespmem:s22+$0x180]  }
0xa9: {  	v1 =	vld [tilespmem:s22+$0x100]  }
0xaa: {  	v2 =	vld [tilespmem:s22+$0x1080]  }
0xab: {  	v3 =	vld [tilespmem:s22+$0x80]  }
0xac: {  	v4 =	vld [tilespmem:s22+$0x1180]  }
0xad: {  	v5 =	vld [tilespmem:s22+$0x0]  }
0xae: {  	v6 =	vld [tilespmem:s22+$0x1000]  }
0xaf: {  	v7 =	vld [tilespmem:s22+$0x1100]  }
0xb0: {  	vm0 =	vlt.f32 v3, $-Inf;
	vm1 =	vgt.f32 v3, $-Inf  }
0xb1: {  	vm0 =	vmor vm1, vm0  }
0xb2: {  	vm1 =	vgt.f32 v3, v5;
	v8 =	vnsel vm0, $0xFF800000, v3;
	v9 =	vnsel vm0, $0x0, v2  }
0xb3: {  	v8 =	vsel vm1, v5, v8;
	v9 =	vsel vm1, v6, v9;
	v0 =	vsel vm1, v0, v1  }
0xb4: {  	v1 =	vsel vm1, v3, v5;
	v2 =	vsel vm1, v2, v6;
	vm0 =	veq.f32 v0, v8  }
0xb5: {  	v3 =	vsel vm1, v4, v7;
	vm1 =	vgt.f32 v0, v8  }
0xb6: {  	vm2 =	vlt.s32 v3, v9  }
0xb7: {  	vm0 =	vmand vm0, vm2  }
0xb8: {  	vm0 =	vmor vm1, vm0  }
0xb9: {  	v0 =	vsel vm0, v0, v8;
	v3 =	vsel vm0, v3, v9  }
0xba: {  	v0 =	vsub.f32 v0, v1;
	_ =	sdelay $0x1  }
0xbb: {  	v0 =	vmul.f32 $1.442695020e+00, v0;
	_ =	sdelay $0x1  }
0xbc: {  	(erf) = vpow2.f32 v0;
	_ =	sdelay $0x8  }
0xbd: {  	v0 =	vpop (erf)  }
0xbe: {  	v1 =	vadd.f32 $1.000000000e+00, v0;
	_ =	sdelay $0x1  }
0xbf: {  	(erf) = vrcp.f32 v1;
	_ =	sdelay $0x8  }
0xc0: {  	v1 =	vpop (erf)  }
0xc1: {  	s21 =	sor.u32 s17, s21;
	v0 =	vmul.f32 v1, v0  }
0xc2: {  	[tilespmem:s21+$0x2800] =	vst v2  }
0xc3: {  	v1 =	vsub.f32 $1.000000000e+00, v0;
	[tilespmem:s21+$0x2080] =	vst v0  }
0xc4: {  	[tilespmem:s21+$0x2880] =	vst v3  }
0xc5: {  	[tilespmem:s21+$0x2000] =	vst v1;
	s21 =	sor.u32 s19, s20  }
0xc6: {  	v0 =	vld [tilespmem:s21+$0x1180]  }
0xc7: {  	v1 =	vld [tilespmem:s21+$0x0]  }
0xc8: {  	v2 =	vld [tilespmem:s21+$0x1080]  }
0xc9: {  	v3 =	vld [tilespmem:s21+$0x180]  }
0xca: {  	v4 =	vld [tilespmem:s21+$0x80];
	_ =	sdelay $0x1  }
0xcb: {  	v5 =	vld [tilespmem:s21+$0x100]  }
0xcc: {  	v6 =	vld [tilespmem:s21+$0x1000]  }
0xcd: {  	v7 =	vld [tilespmem:s21+$0x1100]  }
0xce: {  	vm0 =	vlt.f32 v4, $-Inf;
	vm1 =	vgt.f32 v4, $-Inf  }
0xcf: {  	vm0 =	vmor vm1, vm0  }
0xd0: {  	vm1 =	vgt.f32 v4, v1;
	v8 =	vnsel vm0, $0xFF800000, v4;
	v9 =	vnsel vm0, $0x0, v2  }
0xd1: {  	v3 =	vsel vm1, v3, v5;
	v8 =	vsel vm1, v1, v8;
	v9 =	vsel vm1, v6, v9  }
0xd2: {  	v0 =	vsel vm1, v0, v7;
	vm0 =	vgt.f32 v3, v8;
	vm2 =	veq.f32 v3, v8  }
0xd3: {  	s20 =	sor.u32 s17, s20;
	v1 =	vsel vm1, v4, v1;
	v2 =	vsel vm1, v2, v6;
	vm1 =	vlt.s32 v0, v9  }
0xd4: {  	vm1 =	vmand vm2, vm1;
	[tilespmem:s20+$0x2800] =	vst v2  }
0xd5: {  	vm0 =	vmor vm0, vm1  }
0xd6: {  	v2 =	vsel vm0, v3, v8;
	v0 =	vsel vm0, v0, v9  }
0xd7: {  	v1 =	vsub.f32 v2, v1;
	[tilespmem:s20+$0x2880] =	vst v0;
	_ =	sdelay $0x1  }
0xd8: {  	v0 =	vmul.f32 $1.442695020e+00, v1;
	_ =	sdelay $0x1  }
0xd9: {  	(erf) = vpow2.f32 v0;
	_ =	sdelay $0x8  }
0xda: {  	v0 =	vpop (erf)  }
0xdb: {  	v1 =	vadd.f32 $1.000000000e+00, v0;
	_ =	sdelay $0x1  }
0xdc: {  	(erf) = vrcp.f32 v1;
	_ =	sdelay $0x8  }
0xdd: {  	v1 =	vpop (erf)  }
0xde: {  	v0 =	vmul.f32 v1, v0;
	_ =	sdelay $0x1  }
0xdf: {  	v1 =	vsub.f32 $1.000000000e+00, v0;
	[tilespmem:s20+$0x2080] =	vst v0;
	_ =	sdelay $0x1  }
0xe0: {  	s19 =	sor.u32 s19, s18;
	[tilespmem:s20+$0x2000] =	vst v1  }
0xe1: {  	v0 =	vld [tilespmem:s19+$0x1100]  }
0xe2: {  	v1 =	vld [tilespmem:s19+$0x0]  }
0xe3: {  	v2 =	vld [tilespmem:s19+$0x1080]  }
0xe4: {  	v3 =	vld [tilespmem:s19+$0x80]  }
0xe5: {  	v4 =	vld [tilespmem:s19+$0x1000]  }
0xe6: {  	v5 =	vld [tilespmem:s19+$0x100]  }
0xe7: {  	v6 =	vld [tilespmem:s19+$0x180]  }
0xe8: {  	v7 =	vld [tilespmem:s19+$0x1180]  }
0xe9: {  	vm0 =	vlt.f32 v3, $-Inf;
	vm1 =	vgt.f32 v3, $-Inf  }
0xea: {  	vm0 =	vmor vm1, vm0  }
0xeb: {  	vm1 =	vgt.f32 v3, v1;
	v8 =	vnsel vm0, $0xFF800000, v3;
	v9 =	vnsel vm0, $0x0, v2  }
0xec: {  	v8 =	vsel vm1, v1, v8;
	v9 =	vsel vm1, v4, v9;
	v5 =	vsel vm1, v6, v5  }
0xed: {  	s23 =	sor.u32 s17, s18;
	v2 =	vsel vm1, v2, v4;
	v1 =	vsel vm1, v3, v1;
	vm0 =	veq.f32 v5, v8  }
0xee: {  	v0 =	vsel vm1, v7, v0;
	vm1 =	vgt.f32 v5, v8;
	[tilespmem:s23+$0x2800] =	vst v2  }
0xef: {  	vm2 =	vlt.s32 v0, v9  }
0xf0: {  	vm0 =	vmand vm0, vm2  }
0xf1: {  	vm0 =	vmor vm1, vm0  }
0xf2: {  	v2 =	vsel vm0, v5, v8;
	v0 =	vsel vm0, v0, v9  }
.Ltmp0:
0xf3: {  	v1 =	vsub.f32 v2, v1;
	[tilespmem:s23+$0x2880] =	vst v0;
	(pc) =	sbr.rel @p0 .LBB2_2-.Ltmp0, $3  }
0xf4: {  	_ = 	snop  }
0xf5: {  	v0 =	vmul.f32 $1.442695020e+00, v1;
	_ =	sdelay $0x1  }
0xf6: {  	(erf) = vpow2.f32 v0  }
0xf7: {  	_ =	sdelay $0x7  }
0xf8: {  	v0 =	vpop (erf)  }
0xf9: {  	v1 =	vadd.f32 $1.000000000e+00, v0;
	_ =	sdelay $0x1  }
0xfa: {  	(erf) = vrcp.f32 v1;
	_ =	sdelay $0x8  }
0xfb: {  	v1 =	vpop (erf)  }
0xfc: {  	v0 =	vmul.f32 v1, v0;
	_ =	sdelay $0x1  }
0xfd: {  	v1 =	vsub.f32 $1.000000000e+00, v0  }
0xfe: {  	[tilespmem:s23+$0x2080] =	vst v0  }
0xff: {  	[tilespmem:s23+$0x2000] =	vst v1  }
0x100: {  	[hbm4b:s5+s2] =	stream.linear.scatter [tilespmem:s11], [sflag:$0x3], $0x800, $0x38;
	[tilespmem:$0x3000] =	vst v63  }
0x101: {  	s14 =	sadd.s32 $0x1, s14;
	_ =	swait.ge [sflag:s12], $0x800  }
0x102: {  	p0 =	sne.s32 s14, s7;
	[sflag:s12] =	ssyncset.done $0x0  }
.Ltmp1:
0x103: {  	[sflag:s12] =	ssyncadd.s32 $0xFFFFF800;
	(pc) =	sbr.rel @p0 .LBB2_1-.Ltmp1, $4  }
0x104: {  	[hbm4b:s6+s2] =	stream.linear.scatter [tilespmem:s13], [sflag:$0x3], $0x800, $0x38;
	[tilespmem:$0x3000] =	vst v63  }
0x105: {  	_ =	swait.ge [sflag:s12], $0x800  }
0x106: {  	[sflag:s12] =	ssyncset.done $0x0  }
0x107: {  	[sflag:s12] =	ssyncadd.s32 $0xFFFFF800  }
0x108: {  	_ =	sfence.sel $0x180000  }
0x109: {  	[bflag:$0x0] =	sbarrier.arrive $0xFFFF  }
0x10a: {  	p0 =	sne.s32 s1, $0x0;
	_ =	strace $0x90000047  }
0x10b: {  	s0 =	sadd.s32 @!p0 $0x100000, s0;
	[bflag:$0x2] =	sbarrier.arrive $0xFFFF  }
0x10c: {  	[sflag:s0] =	ssyncadd.tile.s32 @!p0 $0x1;
	_ =	shalt  }
.Lfunc_end2:
_tile_overlayer_lowered:
.L_overlay_start_2:
0x10d: {  	(tag) =	ssettag $0x2  }
0x10e: {  	s0 =	rddreg [dreg:$0x0];
	s2 =	stileid.u32  }
0x10f: {  	s1 =	rddreg [dreg:$0x1];
	p0 =	sne.s32 s2, $0x0  }
0x110: {  	s3 =	rddreg [dreg:$0x2];
	[bflag:$0x3] =	sbarrier.arrive $0xFFFF;
	s2 =	simm.s32 @!p0 $0x1C03  }
0x111: {  	[timem:s3], [sflag:s2] =	dma.local @!p0 [hbm:s0], s1  }
0x112: {  	s0 =	simm.s32 @!p0 $0x3  }
0x113: {  	_ =	swait.ge @!p0 [sflag:s0], s1  }
0x114: {  	s1 =	ssub.s32 @!p0 $0x0, s1;
	[sflag:s0] =	ssyncset.done @!p0 $0x0  }
0x115: {  	[sflag:s0] =	ssyncadd.s32 @!p0 s1  }
0x116: {  	[bflag:$0x3] =	sbarrier.arrive $0xFFFF  }
0x117: {  	_ =	shalt  }

</sc_bundles>
